<compile_context>
chip_gen: v7x
topology: tpu7x:2x2x1
jax: 0.10.2.dev20260603
libtpu: 0.0.44.dev20260713+nightly
codegen_flags: <defaults>
</compile_context>

<pallas_src>
import functools

import jax
import jax.numpy as jnp
from jax import lax
from jax.experimental import pallas as pl
from jax.experimental.pallas import tpu as pltpu
from jax.experimental.pallas import tpu_sc as plsc

P = 3
M = 512
S = 128
OUT_DIM = 512
DIM = 3
N_KNOTS = M + P + 1
N_INT = N_KNOTS - 2 * P
KNOT_PAD = 768
L = 16
NW = 32
CURVES_PER_W = S // NW
VREGS = OUT_DIM // L


def _spline_body(knot_hbm, ctrl_hbm, u_hbm, out_hbm, knot_v, ctrl_v, u_v, out_v,
                 sem_k, sem_c, sem_o):
    wid = lax.axis_index("s") * 2 + lax.axis_index("c")
    pltpu.sync_copy(u_hbm, u_v)
    iota = lax.iota(jnp.int32, L)

    def eval_one(j0):
        ju = j0 + iota
        u = u_v[pl.ds(j0, L)]

        pos = jnp.zeros((L,), jnp.int32)
        for b in (256, 128, 64, 32, 16, 8, 4, 2, 1):
            cand = pos + b
            g = plsc.load_gather(knot_v, [cand + (P - 1)])
            pos = jnp.where((u - g) > 1e-8, cand, pos)
        gl = plsc.load_gather(knot_v, [P + pos - 1])
        dmin = u - gl

        pos2 = jnp.zeros((L,), jnp.int32)
        for b in (256, 128, 64, 32, 16, 8, 4, 2, 1):
            cand = pos2 + b
            g = plsc.load_gather(knot_v, [cand + (P - 1)])
            pos2 = jnp.where((u - g) > dmin, cand, pos2)
        uspan = pos2 + P

        Ug = {}
        for d in range(-2, 4):
            Ug[d] = plsc.load_gather(knot_v, [uspan + d])

        Ni = [None] * (P + 1)
        Ni[0] = jnp.ones((L,), jnp.float32)
        for k in range(1, P + 1):
            saved = jnp.zeros((L,), jnp.float32)
            for r in range(k):
                U1 = Ug[r + 1]
                U2 = Ug[1 - k + r]
                den = (U1 - u) + (u - U2)
                zero = den == 0.0
                safe_den = jnp.where(zero, 1.0, den)
                temp = Ni[r] / safe_den
                temp = jnp.where(zero, 0.0001, temp)
                Ni[r] = saved + (U1 - u) * temp
                saved = (u - U2) * temp
            Ni[k] = saved

        cbase = uspan * DIM - P * DIM
        for d in range(DIM):
            acc = jnp.zeros((L,), jnp.float32)
            for r in range(P + 1):
                pts = plsc.load_gather(ctrl_v, [cbase + (r * DIM + d)])
                acc = acc + Ni[r] * pts
            plsc.store_scatter(out_v, [ju * DIM + d], acc)

    def curve_body(cc, _):
        c = wid * CURVES_PER_W + cc
        kh = pltpu.async_copy(knot_hbm.at[c], knot_v, sem_k)
        ch = pltpu.async_copy(ctrl_hbm.at[c], ctrl_v, sem_c)

        @pl.when(cc > 0)
        def _():
            pltpu.make_async_copy(out_v, out_hbm.at[c - 1], sem_o).wait()

        kh.wait()
        ch.wait()

        @plsc.parallel_loop(0, OUT_DIM, step=L, unroll=1)
        def _vloop(j0):
            eval_one(j0)

        pltpu.async_copy(out_v, out_hbm.at[c], sem_o)
        return 0

    lax.fori_loop(0, CURVES_PER_W, curve_body, 0)
    last = wid * CURVES_PER_W + (CURVES_PER_W - 1)
    pltpu.make_async_copy(out_v, out_hbm.at[last], sem_o).wait()


@jax.jit
def _curve_eval_sc(knot_pad, ctrl_flat, u):
    mesh = plsc.VectorSubcoreMesh(
        core_axis_name="c", subcore_axis_name="s", num_cores=2,
        num_subcores=16)
    run = functools.partial(
        pl.kernel,
        mesh=mesh,
        compiler_params=pltpu.CompilerParams(needs_layout_passes=False),
        out_type=jax.ShapeDtypeStruct((S, OUT_DIM * DIM), jnp.float32),
        scratch_types=[
            pltpu.VMEM((KNOT_PAD,), jnp.float32),
            pltpu.VMEM((M * DIM,), jnp.float32),
            pltpu.VMEM((OUT_DIM,), jnp.float32),
            pltpu.VMEM((OUT_DIM * DIM,), jnp.float32),
            pltpu.SemaphoreType.DMA,
            pltpu.SemaphoreType.DMA,
            pltpu.SemaphoreType.DMA,
        ],
    )(_spline_body)
    return run(knot_pad, ctrl_flat, u)


def kernel(ctrl_pts, knot_u):
    u = jnp.linspace(1e-05, 1.0 - 1e-05, OUT_DIM, dtype=jnp.float32)
    knot_pad = jnp.concatenate(
        [knot_u, jnp.full((S, KNOT_PAD - N_KNOTS), 2.0, jnp.float32)], axis=1)
    ctrl_flat = ctrl_pts.reshape(S, M * DIM)
    out = _curve_eval_sc(knot_pad, ctrl_flat, u)
    return out.reshape(S, OUT_DIM, DIM)

# --- scband reference (transcript-rebuilt; emitter-appended) ---
"""Pipeline reference for scband-curve-eval-80779744903772 (READ-ONLY COPY).

The authoritative reference and input builder live on the scoring server;
editing this copy changes nothing except your own understanding.
"""

import jax, jax.numpy as jnp
import numpy as np

P = 3
M = 512
S = 128
OUT_DIM = 512
DIM = 3


def setup_inputs(seed: int = 0) -> dict:
    key = jax.random.key(seed)
    k1, k2 = jax.random.split(key)
    ctrl_pts = jax.random.normal(k1, (S, M, DIM), dtype=jnp.float32)
    # clamped B-spline knot vector: (p+1) zeros, sorted interior knots, (p+1) ones
    n_knots = M + P + 1
    n_interior = n_knots - 2 * (P + 1)
    interior = jnp.sort(jax.random.uniform(k2, (S, n_interior), minval=0.01, maxval=0.99, dtype=jnp.float32), axis=1)
    knot_u = jnp.concatenate([
        jnp.zeros((S, P + 1), dtype=jnp.float32),
        interior,
        jnp.ones((S, P + 1), dtype=jnp.float32),
    ], axis=1)
    return {"ctrl_pts": ctrl_pts, "knot_u": knot_u}


def _curve_eval(ctrl_pts, knot_u):
    p = P
    u = jnp.linspace(1e-05, 1.0 - 1e-05, OUT_DIM, dtype=jnp.float32)
    U = knot_u
    S_ = U.shape[0]
    # find knot span per sample point (argmin over masked positive differences)
    U_int = U[:, p:-p]  # [S, n_int]
    diff = u[None, None, :] - U_int[:, :, None]  # [S, n_int, out]
    masked = jnp.where(diff > 1e-08, diff, jnp.ones_like(diff))
    uspan = jnp.argmin(masked, axis=1) + p  # [S, out]
    batch = jnp.arange(S_)[:, None]
    # Cox-de Boor basis functions
    Ni = [jnp.zeros((OUT_DIM,), dtype=jnp.float32) for _ in range(p + 1)]
    Ni[0] = jnp.ones((OUT_DIM,), dtype=jnp.float32)
    for k in range(1, p + 1):
        saved = jnp.zeros((OUT_DIM,), dtype=jnp.float32)
        for r in range(k):
            UList1 = U[batch, uspan + r + 1]          # [S, out]
            UList2 = U[batch, uspan + 1 - k + r]      # [S, out]
            den = UList1 - u[None, :] + (u[None, :] - UList2)
            safe_den = jnp.where(den == 0.0, jnp.ones_like(den), den)
            temp = Ni[r] / safe_den
            temp = jnp.where(den == 0.0, jnp.full_like(den, 0.0001), temp)
            Ni[r] = saved + (UList1 - u[None, :]) * temp
            saved = (u[None, :] - UList2) * temp
        Ni[k] = saved
    Nu_uv = jnp.stack(Ni).transpose(1, 0, 2)[..., None]  # [S, p+1, out, 1]
    # gather the p+1 control points supporting each span
    idx = uspan[:, None, :] - p + jnp.arange(p + 1)[None, :, None]  # [S, p+1, out]
    pts = ctrl_pts[jnp.arange(S_)[:, None, None], idx, :]  # [S, p+1, out, dim]
    curve = jnp.sum(Nu_uv * pts, axis=1)  # [S, out, dim]
    return curve


def reference(ctrl_pts, knot_u):
    return _curve_eval(ctrl_pts, knot_u)

if __name__ == "__main__":
    import jax
    _d = setup_inputs()
    print(jax.jit(kernel)(*tuple(_d.values())))

</pallas_src>

<mosaic_0001>
#map = affine_map<(d0, d1) -> (0, 0)>
#map1 = affine_map<(d0, d1) -> (0)>
module attributes {stable_mosaic.version = 14 : i64} {
  func.func @_spline_body(%arg0: i32, %arg1: i32, %arg2: memref<128x768xf32, #tpu.memory_space<hbm>>, %arg3: memref<128x1536xf32, #tpu.memory_space<hbm>>, %arg4: memref<512xf32, #tpu.memory_space<hbm>>, %arg5: memref<128x1536xf32, #tpu.memory_space<hbm>>, %arg6: memref<768xf32, #tpu.memory_space<vmem>>, %arg7: memref<1536xf32, #tpu.memory_space<vmem>>, %arg8: memref<512xf32, #tpu.memory_space<vmem>>, %arg9: memref<1536xf32, #tpu.memory_space<vmem>>, %arg10: memref<!tpu.dma_semaphore, #tpu.memory_space<semaphore_mem>>, %arg11: memref<!tpu.dma_semaphore, #tpu.memory_space<semaphore_mem>>, %arg12: memref<!tpu.dma_semaphore, #tpu.memory_space<semaphore_mem>>) attributes {dimension_semantics = [#tpu.dimension_semantics<core_parallel>, #tpu.dimension_semantics<subcore_parallel>], iteration_bounds = array<i64: 2, 16>, scalar_prefetch = 0 : i64, scratch_operands = 7 : i64, tpu.core_type = #tpu.core_type<sc_vector_subcore>, window_params = [{transform_indices = #map}, {transform_indices = #map}, {transform_indices = #map1}, {transform_indices = #map}]} {
    %mul3A = arith.constant 2 : i32
    %mul3A_0 = arith.muli %arg1, %mul3A : i32
    %add3A = arith.addi %mul3A_0, %arg0 : i32
    "tpu.region"() ({
      %run_scoped3A = tpu.sem_alloc : memref<!tpu.dma_semaphore, #tpu.memory_space<semaphore_mem>>
      tpu.enqueue_dma source(%arg4 : memref<512xf32, #tpu.memory_space<hbm>>) target(%arg8 : memref<512xf32, #tpu.memory_space<vmem>>) target_semaphore(%run_scoped3A : memref<!tpu.dma_semaphore, #tpu.memory_space<semaphore_mem>>)
      tpu.wait_dma2 semaphore(%run_scoped3A : memref<!tpu.dma_semaphore, #tpu.memory_space<semaphore_mem>>) src(%arg4 : memref<512xf32, #tpu.memory_space<hbm>>) dst(%arg8 : memref<512xf32, #tpu.memory_space<vmem>>)
      tpu.yield
    }) : () -> ()
    %iota3A = tpu.iota {dimensions = array<i32: 0>} : vector<16xi32>
    %scan3A = arith.constant 0 : i32
    %scan3A_1 = arith.constant 0 : i32
    %scan3A_2 = arith.constant 4 : i32
    %scan3A_3 = arith.addi %scan3A_1, %scan3A_2 : i32
    %scan3A_4 = arith.constant 1 : i32
    %scan3A_5 = scf.for %scan3A_16 = %scan3A_1 to %scan3A_3 step %scan3A_4 iter_args(%scan3A_17 = %scan3A) -> (i32)  : i32 {
      %mul3A_18 = arith.constant 4 : i32
      %mul3A_19 = arith.muli %add3A, %mul3A_18 : i32
      %add3A_20 = arith.addi %mul3A_19, %scan3A_16 : i32
      %dma_start3A = arith.constant 0 : i32
      %dma_start3A_21 = tpu.memref_slice %arg2[%add3A_20, %dma_start3A] : memref<128x768xf32, #tpu.memory_space<hbm>> -> memref<1x768xf32, #tpu.memory_space<hbm>>
      %dma_start3A_22 = tpu.memref_squeeze %dma_start3A_21 : memref<1x768xf32, #tpu.memory_space<hbm>> -> memref<768xf32, #tpu.memory_space<hbm>>
      %dma_start3A_23 = arith.constant 0 : i32
      %dma_start3A_24 = tpu.memref_slice %arg2[%add3A_20, %dma_start3A_23] : memref<128x768xf32, #tpu.memory_space<hbm>> -> memref<1x768xf32, #tpu.memory_space<hbm>>
      %dma_start3A_25 = tpu.memref_squeeze %dma_start3A_24 : memref<1x768xf32, #tpu.memory_space<hbm>> -> memref<768xf32, #tpu.memory_space<hbm>>
      tpu.enqueue_dma source(%dma_start3A_25 : memref<768xf32, #tpu.memory_space<hbm>>) target(%arg6 : memref<768xf32, #tpu.memory_space<vmem>>) target_semaphore(%arg10 : memref<!tpu.dma_semaphore, #tpu.memory_space<semaphore_mem>>)
      %dma_start3A_26 = arith.constant 0 : i32
      %dma_start3A_27 = tpu.memref_slice %arg3[%add3A_20, %dma_start3A_26] : memref<128x1536xf32, #tpu.memory_space<hbm>> -> memref<1x1536xf32, #tpu.memory_space<hbm>>
      %dma_start3A_28 = tpu.memref_squeeze %dma_start3A_27 : memref<1x1536xf32, #tpu.memory_space<hbm>> -> memref<1536xf32, #tpu.memory_space<hbm>>
      %dma_start3A_29 = arith.constant 0 : i32
      %dma_start3A_30 = tpu.memref_slice %arg3[%add3A_20, %dma_start3A_29] : memref<128x1536xf32, #tpu.memory_space<hbm>> -> memref<1x1536xf32, #tpu.memory_space<hbm>>
      %dma_start3A_31 = tpu.memref_squeeze %dma_start3A_30 : memref<1x1536xf32, #tpu.memory_space<hbm>> -> memref<1536xf32, #tpu.memory_space<hbm>>
      tpu.enqueue_dma source(%dma_start3A_31 : memref<1536xf32, #tpu.memory_space<hbm>>) target(%arg7 : memref<1536xf32, #tpu.memory_space<vmem>>) target_semaphore(%arg11 : memref<!tpu.dma_semaphore, #tpu.memory_space<semaphore_mem>>)
      %gt3A = arith.constant 0 : i32
      %gt3A_32 = arith.cmpi sgt, %scan3A_16, %gt3A : i32
      %convert_element_type3A = arith.extui %gt3A_32 : i1 to i32
      %cond3A = arith.constant 0 : i32
      %cond3A_33 = arith.cmpi ne, %convert_element_type3A, %cond3A : i32
      scf.if %cond3A_33 {
        %sub3A = arith.constant 1 : i32
        %sub3A_55 = arith.subi %add3A_20, %sub3A : i32
        %dma_wait3A_56 = arith.constant 0 : i32
        %dma_wait3A_57 = tpu.memref_slice %arg5[%sub3A_55, %dma_wait3A_56] : memref<128x1536xf32, #tpu.memory_space<hbm>> -> memref<1x1536xf32, #tpu.memory_space<hbm>>
        %dma_wait3A_58 = tpu.memref_squeeze %dma_wait3A_57 : memref<1x1536xf32, #tpu.memory_space<hbm>> -> memref<1536xf32, #tpu.memory_space<hbm>>
        %dma_wait3A_59 = arith.constant 0 : i32
        %dma_wait3A_60 = tpu.memref_slice %arg5[%sub3A_55, %dma_wait3A_59] : memref<128x1536xf32, #tpu.memory_space<hbm>> -> memref<1x1536xf32, #tpu.memory_space<hbm>>
        %dma_wait3A_61 = tpu.memref_squeeze %dma_wait3A_60 : memref<1x1536xf32, #tpu.memory_space<hbm>> -> memref<1536xf32, #tpu.memory_space<hbm>>
        tpu.wait_dma2 semaphore(%arg12 : memref<!tpu.dma_semaphore, #tpu.memory_space<semaphore_mem>>) src(%arg9 : memref<1536xf32, #tpu.memory_space<vmem>>) dst(%dma_wait3A_61 : memref<1536xf32, #tpu.memory_space<hbm>>)
      } else {
      }
      %dma_wait3A_34 = arith.constant 0 : i32
      %dma_wait3A_35 = tpu.memref_slice %arg2[%add3A_20, %dma_wait3A_34] : memref<128x768xf32, #tpu.memory_space<hbm>> -> memref<1x768xf32, #tpu.memory_space<hbm>>
      %dma_wait3A_36 = tpu.memref_squeeze %dma_wait3A_35 : memref<1x768xf32, #tpu.memory_space<hbm>> -> memref<768xf32, #tpu.memory_space<hbm>>
      %dma_wait3A_37 = arith.constant 0 : i32
      %dma_wait3A_38 = tpu.memref_slice %arg2[%add3A_20, %dma_wait3A_37] : memref<128x768xf32, #tpu.memory_space<hbm>> -> memref<1x768xf32, #tpu.memory_space<hbm>>
      %dma_wait3A_39 = tpu.memref_squeeze %dma_wait3A_38 : memref<1x768xf32, #tpu.memory_space<hbm>> -> memref<768xf32, #tpu.memory_space<hbm>>
      tpu.wait_dma2 semaphore(%arg10 : memref<!tpu.dma_semaphore, #tpu.memory_space<semaphore_mem>>) src(%dma_wait3A_39 : memref<768xf32, #tpu.memory_space<hbm>>) dst(%arg6 : memref<768xf32, #tpu.memory_space<vmem>>)
      %dma_wait3A_40 = arith.constant 0 : i32
      %dma_wait3A_41 = tpu.memref_slice %arg3[%add3A_20, %dma_wait3A_40] : memref<128x1536xf32, #tpu.memory_space<hbm>> -> memref<1x1536xf32, #tpu.memory_space<hbm>>
      %dma_wait3A_42 = tpu.memref_squeeze %dma_wait3A_41 : memref<1x1536xf32, #tpu.memory_space<hbm>> -> memref<1536xf32, #tpu.memory_space<hbm>>
      %dma_wait3A_43 = arith.constant 0 : i32
      %dma_wait3A_44 = tpu.memref_slice %arg3[%add3A_20, %dma_wait3A_43] : memref<128x1536xf32, #tpu.memory_space<hbm>> -> memref<1x1536xf32, #tpu.memory_space<hbm>>
      %dma_wait3A_45 = tpu.memref_squeeze %dma_wait3A_44 : memref<1x1536xf32, #tpu.memory_space<hbm>> -> memref<1536xf32, #tpu.memory_space<hbm>>
      tpu.wait_dma2 semaphore(%arg11 : memref<!tpu.dma_semaphore, #tpu.memory_space<semaphore_mem>>) src(%dma_wait3A_45 : memref<1536xf32, #tpu.memory_space<hbm>>) dst(%arg7 : memref<1536xf32, #tpu.memory_space<vmem>>)
      %parallel_loop3A = arith.constant 0 : i32
      %parallel_loop3A_46 = arith.constant 512 : i32
      %parallel_loop3A_47 = arith.constant 16 : i32
      scf.for %parallel_loop3A_55 = %parallel_loop3A to %parallel_loop3A_46 step %parallel_loop3A_47  : i32 {
        %parallel_loop3A_56 = vector.broadcast %parallel_loop3A_55 : i32 to vector<16xi32>
        %parallel_loop3A_57 = arith.addi %parallel_loop3A_56, %iota3A : vector<16xi32>
        %parallel_loop3A_58 = arith.index_cast %parallel_loop3A_55 : i32 to index
        %parallel_loop3A_59 = tpu.vector_load %arg8[%parallel_loop3A_58] {strides = array<i32>} : memref<512xf32, #tpu.memory_space<vmem>>, vector<16xf32>,
        %parallel_loop3A_60 = arith.constant 0 : i32
        %parallel_loop3A_61 = vector.broadcast %parallel_loop3A_60 : i32 to vector<16xi32>
        %parallel_loop3A_62 = arith.constant 256 : i32
        %parallel_loop3A_63 = vector.broadcast %parallel_loop3A_62 : i32 to vector<16xi32>
        %parallel_loop3A_64 = arith.addi %parallel_loop3A_61, %parallel_loop3A_63 : vector<16xi32>
        %parallel_loop3A_65 = arith.constant 2 : i32
        %parallel_loop3A_66 = vector.broadcast %parallel_loop3A_65 : i32 to vector<16xi32>
        %parallel_loop3A_67 = arith.addi %parallel_loop3A_64, %parallel_loop3A_66 : vector<16xi32>
        %parallel_loop3A_68 = tpu.vector_load_idx %arg6[%parallel_loop3A_67] : memref<768xf32, #tpu.memory_space<vmem>>[vector<16xi32>], vector<16xf32>,
        %parallel_loop3A_69 = arith.subf %parallel_loop3A_59, %parallel_loop3A_68 : vector<16xf32>
        %parallel_loop3A_70 = arith.constant 9.99999993E-9 : f32
        %parallel_loop3A_71 = vector.broadcast %parallel_loop3A_70 : f32 to vector<16xf32>
        %parallel_loop3A_72 = arith.cmpf ogt, %parallel_loop3A_69, %parallel_loop3A_71 : vector<16xf32>
        %parallel_loop3A_73 = arith.select %parallel_loop3A_72, %parallel_loop3A_64, %parallel_loop3A_61 : vector<16xi1>, vector<16xi32>
        %parallel_loop3A_74 = arith.constant 128 : i32
        %parallel_loop3A_75 = vector.broadcast %parallel_loop3A_74 : i32 to vector<16xi32>
        %parallel_loop3A_76 = arith.addi %parallel_loop3A_73, %parallel_loop3A_75 : vector<16xi32>
        %parallel_loop3A_77 = arith.constant 2 : i32
        %parallel_loop3A_78 = vector.broadcast %parallel_loop3A_77 : i32 to vector<16xi32>
        %parallel_loop3A_79 = arith.addi %parallel_loop3A_76, %parallel_loop3A_78 : vector<16xi32>
        %parallel_loop3A_80 = tpu.vector_load_idx %arg6[%parallel_loop3A_79] : memref<768xf32, #tpu.memory_space<vmem>>[vector<16xi32>], vector<16xf32>,
        %parallel_loop3A_81 = arith.subf %parallel_loop3A_59, %parallel_loop3A_80 : vector<16xf32>
        %parallel_loop3A_82 = arith.constant 9.99999993E-9 : f32
        %parallel_loop3A_83 = vector.broadcast %parallel_loop3A_82 : f32 to vector<16xf32>
        %parallel_loop3A_84 = arith.cmpf ogt, %parallel_loop3A_81, %parallel_loop3A_83 : vector<16xf32>
        %parallel_loop3A_85 = arith.select %parallel_loop3A_84, %parallel_loop3A_76, %parallel_loop3A_73 : vector<16xi1>, vector<16xi32>
        %parallel_loop3A_86 = arith.constant 64 : i32
        %parallel_loop3A_87 = vector.broadcast %parallel_loop3A_86 : i32 to vector<16xi32>
        %parallel_loop3A_88 = arith.addi %parallel_loop3A_85, %parallel_loop3A_87 : vector<16xi32>
        %parallel_loop3A_89 = arith.constant 2 : i32
        %parallel_loop3A_90 = vector.broadcast %parallel_loop3A_89 : i32 to vector<16xi32>
        %parallel_loop3A_91 = arith.addi %parallel_loop3A_88, %parallel_loop3A_90 : vector<16xi32>
        %parallel_loop3A_92 = tpu.vector_load_idx %arg6[%parallel_loop3A_91] : memref<768xf32, #tpu.memory_space<vmem>>[vector<16xi32>], vector<16xf32>,
        %parallel_loop3A_93 = arith.subf %parallel_loop3A_59, %parallel_loop3A_92 : vector<16xf32>
        %parallel_loop3A_94 = arith.constant 9.99999993E-9 : f32
        %parallel_loop3A_95 = vector.broadcast %parallel_loop3A_94 : f32 to vector<16xf32>
        %parallel_loop3A_96 = arith.cmpf ogt, %parallel_loop3A_93, %parallel_loop3A_95 : vector<16xf32>
        %parallel_loop3A_97 = arith.select %parallel_loop3A_96, %parallel_loop3A_88, %parallel_loop3A_85 : vector<16xi1>, vector<16xi32>
        %parallel_loop3A_98 = arith.constant 32 : i32
        %parallel_loop3A_99 = vector.broadcast %parallel_loop3A_98 : i32 to vector<16xi32>
        %parallel_loop3A_100 = arith.addi %parallel_loop3A_97, %parallel_loop3A_99 : vector<16xi32>
        %parallel_loop3A_101 = arith.constant 2 : i32
        %parallel_loop3A_102 = vector.broadcast %parallel_loop3A_101 : i32 to vector<16xi32>
        %parallel_loop3A_103 = arith.addi %parallel_loop3A_100, %parallel_loop3A_102 : vector<16xi32>
        %parallel_loop3A_104 = tpu.vector_load_idx %arg6[%parallel_loop3A_103] : memref<768xf32, #tpu.memory_space<vmem>>[vector<16xi32>], vector<16xf32>,
        %parallel_loop3A_105 = arith.subf %parallel_loop3A_59, %parallel_loop3A_104 : vector<16xf32>
        %parallel_loop3A_106 = arith.constant 9.99999993E-9 : f32
        %parallel_loop3A_107 = vector.broadcast %parallel_loop3A_106 : f32 to vector<16xf32>
        %parallel_loop3A_108 = arith.cmpf ogt, %parallel_loop3A_105, %parallel_loop3A_107 : vector<16xf32>
        %parallel_loop3A_109 = arith.select %parallel_loop3A_108, %parallel_loop3A_100, %parallel_loop3A_97 : vector<16xi1>, vector<16xi32>
        %parallel_loop3A_110 = arith.constant 16 : i32
        %parallel_loop3A_111 = vector.broadcast %parallel_loop3A_110 : i32 to vector<16xi32>
        %parallel_loop3A_112 = arith.addi %parallel_loop3A_109, %parallel_loop3A_111 : vector<16xi32>
        %parallel_loop3A_113 = arith.constant 2 : i32
        %parallel_loop3A_114 = vector.broadcast %parallel_loop3A_113 : i32 to vector<16xi32>
        %parallel_loop3A_115 = arith.addi %parallel_loop3A_112, %parallel_loop3A_114 : vector<16xi32>
        %parallel_loop3A_116 = tpu.vector_load_idx %arg6[%parallel_loop3A_115] : memref<768xf32, #tpu.memory_space<vmem>>[vector<16xi32>], vector<16xf32>,
        %parallel_loop3A_117 = arith.subf %parallel_loop3A_59, %parallel_loop3A_116 : vector<16xf32>
        %parallel_loop3A_118 = arith.constant 9.99999993E-9 : f32
        %parallel_loop3A_119 = vector.broadcast %parallel_loop3A_118 : f32 to vector<16xf32>
        %parallel_loop3A_120 = arith.cmpf ogt, %parallel_loop3A_117, %parallel_loop3A_119 : vector<16xf32>
        %parallel_loop3A_121 = arith.select %parallel_loop3A_120, %parallel_loop3A_112, %parallel_loop3A_109 : vector<16xi1>, vector<16xi32>
        %parallel_loop3A_122 = arith.constant 8 : i32
        %parallel_loop3A_123 = vector.broadcast %parallel_loop3A_122 : i32 to vector<16xi32>
        %parallel_loop3A_124 = arith.addi %parallel_loop3A_121, %parallel_loop3A_123 : vector<16xi32>
        %parallel_loop3A_125 = arith.constant 2 : i32
        %parallel_loop3A_126 = vector.broadcast %parallel_loop3A_125 : i32 to vector<16xi32>
        %parallel_loop3A_127 = arith.addi %parallel_loop3A_124, %parallel_loop3A_126 : vector<16xi32>
        %parallel_loop3A_128 = tpu.vector_load_idx %arg6[%parallel_loop3A_127] : memref<768xf32, #tpu.memory_space<vmem>>[vector<16xi32>], vector<16xf32>,
        %parallel_loop3A_129 = arith.subf %parallel_loop3A_59, %parallel_loop3A_128 : vector<16xf32>
        %parallel_loop3A_130 = arith.constant 9.99999993E-9 : f32
        %parallel_loop3A_131 = vector.broadcast %parallel_loop3A_130 : f32 to vector<16xf32>
        %parallel_loop3A_132 = arith.cmpf ogt, %parallel_loop3A_129, %parallel_loop3A_131 : vector<16xf32>
        %parallel_loop3A_133 = arith.select %parallel_loop3A_132, %parallel_loop3A_124, %parallel_loop3A_121 : vector<16xi1>, vector<16xi32>
        %parallel_loop3A_134 = arith.constant 4 : i32
        %parallel_loop3A_135 = vector.broadcast %parallel_loop3A_134 : i32 to vector<16xi32>
        %parallel_loop3A_136 = arith.addi %parallel_loop3A_133, %parallel_loop3A_135 : vector<16xi32>
        %parallel_loop3A_137 = arith.constant 2 : i32
        %parallel_loop3A_138 = vector.broadcast %parallel_loop3A_137 : i32 to vector<16xi32>
        %parallel_loop3A_139 = arith.addi %parallel_loop3A_136, %parallel_loop3A_138 : vector<16xi32>
        %parallel_loop3A_140 = tpu.vector_load_idx %arg6[%parallel_loop3A_139] : memref<768xf32, #tpu.memory_space<vmem>>[vector<16xi32>], vector<16xf32>,
        %parallel_loop3A_141 = arith.subf %parallel_loop3A_59, %parallel_loop3A_140 : vector<16xf32>
        %parallel_loop3A_142 = arith.constant 9.99999993E-9 : f32
        %parallel_loop3A_143 = vector.broadcast %parallel_loop3A_142 : f32 to vector<16xf32>
        %parallel_loop3A_144 = arith.cmpf ogt, %parallel_loop3A_141, %parallel_loop3A_143 : vector<16xf32>
        %parallel_loop3A_145 = arith.select %parallel_loop3A_144, %parallel_loop3A_136, %parallel_loop3A_133 : vector<16xi1>, vector<16xi32>
        %parallel_loop3A_146 = arith.constant 2 : i32
        %parallel_loop3A_147 = vector.broadcast %parallel_loop3A_146 : i32 to vector<16xi32>
        %parallel_loop3A_148 = arith.addi %parallel_loop3A_145, %parallel_loop3A_147 : vector<16xi32>
        %parallel_loop3A_149 = arith.constant 2 : i32
        %parallel_loop3A_150 = vector.broadcast %parallel_loop3A_149 : i32 to vector<16xi32>
        %parallel_loop3A_151 = arith.addi %parallel_loop3A_148, %parallel_loop3A_150 : vector<16xi32>
        %parallel_loop3A_152 = tpu.vector_load_idx %arg6[%parallel_loop3A_151] : memref<768xf32, #tpu.memory_space<vmem>>[vector<16xi32>], vector<16xf32>,
        %parallel_loop3A_153 = arith.subf %parallel_loop3A_59, %parallel_loop3A_152 : vector<16xf32>
        %parallel_loop3A_154 = arith.constant 9.99999993E-9 : f32
        %parallel_loop3A_155 = vector.broadcast %parallel_loop3A_154 : f32 to vector<16xf32>
        %parallel_loop3A_156 = arith.cmpf ogt, %parallel_loop3A_153, %parallel_loop3A_155 : vector<16xf32>
        %parallel_loop3A_157 = arith.select %parallel_loop3A_156, %parallel_loop3A_148, %parallel_loop3A_145 : vector<16xi1>, vector<16xi32>
        %parallel_loop3A_158 = arith.constant 1 : i32
        %parallel_loop3A_159 = vector.broadcast %parallel_loop3A_158 : i32 to vector<16xi32>
        %parallel_loop3A_160 = arith.addi %parallel_loop3A_157, %parallel_loop3A_159 : vector<16xi32>
        %parallel_loop3A_161 = arith.constant 2 : i32
        %parallel_loop3A_162 = vector.broadcast %parallel_loop3A_161 : i32 to vector<16xi32>
        %parallel_loop3A_163 = arith.addi %parallel_loop3A_160, %parallel_loop3A_162 : vector<16xi32>
        %parallel_loop3A_164 = tpu.vector_load_idx %arg6[%parallel_loop3A_163] : memref<768xf32, #tpu.memory_space<vmem>>[vector<16xi32>], vector<16xf32>,
        %parallel_loop3A_165 = arith.subf %parallel_loop3A_59, %parallel_loop3A_164 : vector<16xf32>
        %parallel_loop3A_166 = arith.constant 9.99999993E-9 : f32
        %parallel_loop3A_167 = vector.broadcast %parallel_loop3A_166 : f32 to vector<16xf32>
        %parallel_loop3A_168 = arith.cmpf ogt, %parallel_loop3A_165, %parallel_loop3A_167 : vector<16xf32>
        %parallel_loop3A_169 = arith.select %parallel_loop3A_168, %parallel_loop3A_160, %parallel_loop3A_157 : vector<16xi1>, vector<16xi32>
        %parallel_loop3A_170 = arith.constant 3 : i32
        %parallel_loop3A_171 = vector.broadcast %parallel_loop3A_170 : i32 to vector<16xi32>
        %parallel_loop3A_172 = arith.addi %parallel_loop3A_171, %parallel_loop3A_169 : vector<16xi32>
        %parallel_loop3A_173 = arith.constant 1 : i32
        %parallel_loop3A_174 = vector.broadcast %parallel_loop3A_173 : i32 to vector<16xi32>
        %parallel_loop3A_175 = arith.subi %parallel_loop3A_172, %parallel_loop3A_174 : vector<16xi32>
        %parallel_loop3A_176 = tpu.vector_load_idx %arg6[%parallel_loop3A_175] : memref<768xf32, #tpu.memory_space<vmem>>[vector<16xi32>], vector<16xf32>,
        %parallel_loop3A_177 = arith.subf %parallel_loop3A_59, %parallel_loop3A_176 : vector<16xf32>
        %parallel_loop3A_178 = arith.constant 0 : i32
        %parallel_loop3A_179 = vector.broadcast %parallel_loop3A_178 : i32 to vector<16xi32>
        %parallel_loop3A_180 = arith.constant 256 : i32
        %parallel_loop3A_181 = vector.broadcast %parallel_loop3A_180 : i32 to vector<16xi32>
        %parallel_loop3A_182 = arith.addi %parallel_loop3A_179, %parallel_loop3A_181 : vector<16xi32>
        %parallel_loop3A_183 = arith.constant 2 : i32
        %parallel_loop3A_184 = vector.broadcast %parallel_loop3A_183 : i32 to vector<16xi32>
        %parallel_loop3A_185 = arith.addi %parallel_loop3A_182, %parallel_loop3A_184 : vector<16xi32>
        %parallel_loop3A_186 = tpu.vector_load_idx %arg6[%parallel_loop3A_185] : memref<768xf32, #tpu.memory_space<vmem>>[vector<16xi32>], vector<16xf32>,
        %parallel_loop3A_187 = arith.subf %parallel_loop3A_59, %parallel_loop3A_186 : vector<16xf32>
        %parallel_loop3A_188 = arith.cmpf ogt, %parallel_loop3A_187, %parallel_loop3A_177 : vector<16xf32>
        %parallel_loop3A_189 = arith.select %parallel_loop3A_188, %parallel_loop3A_182, %parallel_loop3A_179 : vector<16xi1>, vector<16xi32>
        %parallel_loop3A_190 = arith.constant 128 : i32
        %parallel_loop3A_191 = vector.broadcast %parallel_loop3A_190 : i32 to vector<16xi32>
        %parallel_loop3A_192 = arith.addi %parallel_loop3A_189, %parallel_loop3A_191 : vector<16xi32>
        %parallel_loop3A_193 = arith.constant 2 : i32
        %parallel_loop3A_194 = vector.broadcast %parallel_loop3A_193 : i32 to vector<16xi32>
        %parallel_loop3A_195 = arith.addi %parallel_loop3A_192, %parallel_loop3A_194 : vector<16xi32>
        %parallel_loop3A_196 = tpu.vector_load_idx %arg6[%parallel_loop3A_195] : memref<768xf32, #tpu.memory_space<vmem>>[vector<16xi32>], vector<16xf32>,
        %parallel_loop3A_197 = arith.subf %parallel_loop3A_59, %parallel_loop3A_196 : vector<16xf32>
        %parallel_loop3A_198 = arith.cmpf ogt, %parallel_loop3A_197, %parallel_loop3A_177 : vector<16xf32>
        %parallel_loop3A_199 = arith.select %parallel_loop3A_198, %parallel_loop3A_192, %parallel_loop3A_189 : vector<16xi1>, vector<16xi32>
        %parallel_loop3A_200 = arith.constant 64 : i32
        %parallel_loop3A_201 = vector.broadcast %parallel_loop3A_200 : i32 to vector<16xi32>
        %parallel_loop3A_202 = arith.addi %parallel_loop3A_199, %parallel_loop3A_201 : vector<16xi32>
        %parallel_loop3A_203 = arith.constant 2 : i32
        %parallel_loop3A_204 = vector.broadcast %parallel_loop3A_203 : i32 to vector<16xi32>
        %parallel_loop3A_205 = arith.addi %parallel_loop3A_202, %parallel_loop3A_204 : vector<16xi32>
        %parallel_loop3A_206 = tpu.vector_load_idx %arg6[%parallel_loop3A_205] : memref<768xf32, #tpu.memory_space<vmem>>[vector<16xi32>], vector<16xf32>,
        %parallel_loop3A_207 = arith.subf %parallel_loop3A_59, %parallel_loop3A_206 : vector<16xf32>
        %parallel_loop3A_208 = arith.cmpf ogt, %parallel_loop3A_207, %parallel_loop3A_177 : vector<16xf32>
        %parallel_loop3A_209 = arith.select %parallel_loop3A_208, %parallel_loop3A_202, %parallel_loop3A_199 : vector<16xi1>, vector<16xi32>
        %parallel_loop3A_210 = arith.constant 32 : i32
        %parallel_loop3A_211 = vector.broadcast %parallel_loop3A_210 : i32 to vector<16xi32>
        %parallel_loop3A_212 = arith.addi %parallel_loop3A_209, %parallel_loop3A_211 : vector<16xi32>
        %parallel_loop3A_213 = arith.constant 2 : i32
        %parallel_loop3A_214 = vector.broadcast %parallel_loop3A_213 : i32 to vector<16xi32>
        %parallel_loop3A_215 = arith.addi %parallel_loop3A_212, %parallel_loop3A_214 : vector<16xi32>
        %parallel_loop3A_216 = tpu.vector_load_idx %arg6[%parallel_loop3A_215] : memref<768xf32, #tpu.memory_space<vmem>>[vector<16xi32>], vector<16xf32>,
        %parallel_loop3A_217 = arith.subf %parallel_loop3A_59, %parallel_loop3A_216 : vector<16xf32>
        %parallel_loop3A_218 = arith.cmpf ogt, %parallel_loop3A_217, %parallel_loop3A_177 : vector<16xf32>
        %parallel_loop3A_219 = arith.select %parallel_loop3A_218, %parallel_loop3A_212, %parallel_loop3A_209 : vector<16xi1>, vector<16xi32>
        %parallel_loop3A_220 = arith.constant 16 : i32
        %parallel_loop3A_221 = vector.broadcast %parallel_loop3A_220 : i32 to vector<16xi32>
        %parallel_loop3A_222 = arith.addi %parallel_loop3A_219, %parallel_loop3A_221 : vector<16xi32>
        %parallel_loop3A_223 = arith.constant 2 : i32
        %parallel_loop3A_224 = vector.broadcast %parallel_loop3A_223 : i32 to vector<16xi32>
        %parallel_loop3A_225 = arith.addi %parallel_loop3A_222, %parallel_loop3A_224 : vector<16xi32>
        %parallel_loop3A_226 = tpu.vector_load_idx %arg6[%parallel_loop3A_225] : memref<768xf32, #tpu.memory_space<vmem>>[vector<16xi32>], vector<16xf32>,
        %parallel_loop3A_227 = arith.subf %parallel_loop3A_59, %parallel_loop3A_226 : vector<16xf32>
        %parallel_loop3A_228 = arith.cmpf ogt, %parallel_loop3A_227, %parallel_loop3A_177 : vector<16xf32>
        %parallel_loop3A_229 = arith.select %parallel_loop3A_228, %parallel_loop3A_222, %parallel_loop3A_219 : vector<16xi1>, vector<16xi32>
        %parallel_loop3A_230 = arith.constant 8 : i32
        %parallel_loop3A_231 = vector.broadcast %parallel_loop3A_230 : i32 to vector<16xi32>
        %parallel_loop3A_232 = arith.addi %parallel_loop3A_229, %parallel_loop3A_231 : vector<16xi32>
        %parallel_loop3A_233 = arith.constant 2 : i32
        %parallel_loop3A_234 = vector.broadcast %parallel_loop3A_233 : i32 to vector<16xi32>
        %parallel_loop3A_235 = arith.addi %parallel_loop3A_232, %parallel_loop3A_234 : vector<16xi32>
        %parallel_loop3A_236 = tpu.vector_load_idx %arg6[%parallel_loop3A_235] : memref<768xf32, #tpu.memory_space<vmem>>[vector<16xi32>], vector<16xf32>,
        %parallel_loop3A_237 = arith.subf %parallel_loop3A_59, %parallel_loop3A_236 : vector<16xf32>
        %parallel_loop3A_238 = arith.cmpf ogt, %parallel_loop3A_237, %parallel_loop3A_177 : vector<16xf32>
        %parallel_loop3A_239 = arith.select %parallel_loop3A_238, %parallel_loop3A_232, %parallel_loop3A_229 : vector<16xi1>, vector<16xi32>
        %parallel_loop3A_240 = arith.constant 4 : i32
        %parallel_loop3A_241 = vector.broadcast %parallel_loop3A_240 : i32 to vector<16xi32>
        %parallel_loop3A_242 = arith.addi %parallel_loop3A_239, %parallel_loop3A_241 : vector<16xi32>
        %parallel_loop3A_243 = arith.constant 2 : i32
        %parallel_loop3A_244 = vector.broadcast %parallel_loop3A_243 : i32 to vector<16xi32>
        %parallel_loop3A_245 = arith.addi %parallel_loop3A_242, %parallel_loop3A_244 : vector<16xi32>
        %parallel_loop3A_246 = tpu.vector_load_idx %arg6[%parallel_loop3A_245] : memref<768xf32, #tpu.memory_space<vmem>>[vector<16xi32>], vector<16xf32>,
        %parallel_loop3A_247 = arith.subf %parallel_loop3A_59, %parallel_loop3A_246 : vector<16xf32>
        %parallel_loop3A_248 = arith.cmpf ogt, %parallel_loop3A_247, %parallel_loop3A_177 : vector<16xf32>
        %parallel_loop3A_249 = arith.select %parallel_loop3A_248, %parallel_loop3A_242, %parallel_loop3A_239 : vector<16xi1>, vector<16xi32>
        %parallel_loop3A_250 = arith.constant 2 : i32
        %parallel_loop3A_251 = vector.broadcast %parallel_loop3A_250 : i32 to vector<16xi32>
        %parallel_loop3A_252 = arith.addi %parallel_loop3A_249, %parallel_loop3A_251 : vector<16xi32>
        %parallel_loop3A_253 = arith.constant 2 : i32
        %parallel_loop3A_254 = vector.broadcast %parallel_loop3A_253 : i32 to vector<16xi32>
        %parallel_loop3A_255 = arith.addi %parallel_loop3A_252, %parallel_loop3A_254 : vector<16xi32>
        %parallel_loop3A_256 = tpu.vector_load_idx %arg6[%parallel_loop3A_255] : memref<768xf32, #tpu.memory_space<vmem>>[vector<16xi32>], vector<16xf32>,
        %parallel_loop3A_257 = arith.subf %parallel_loop3A_59, %parallel_loop3A_256 : vector<16xf32>
        %parallel_loop3A_258 = arith.cmpf ogt, %parallel_loop3A_257, %parallel_loop3A_177 : vector<16xf32>
        %parallel_loop3A_259 = arith.select %parallel_loop3A_258, %parallel_loop3A_252, %parallel_loop3A_249 : vector<16xi1>, vector<16xi32>
        %parallel_loop3A_260 = arith.constant 1 : i32
        %parallel_loop3A_261 = vector.broadcast %parallel_loop3A_260 : i32 to vector<16xi32>
        %parallel_loop3A_262 = arith.addi %parallel_loop3A_259, %parallel_loop3A_261 : vector<16xi32>
        %parallel_loop3A_263 = arith.constant 2 : i32
        %parallel_loop3A_264 = vector.broadcast %parallel_loop3A_263 : i32 to vector<16xi32>
        %parallel_loop3A_265 = arith.addi %parallel_loop3A_262, %parallel_loop3A_264 : vector<16xi32>
        %parallel_loop3A_266 = tpu.vector_load_idx %arg6[%parallel_loop3A_265] : memref<768xf32, #tpu.memory_space<vmem>>[vector<16xi32>], vector<16xf32>,
        %parallel_loop3A_267 = arith.subf %parallel_loop3A_59, %parallel_loop3A_266 : vector<16xf32>
        %parallel_loop3A_268 = arith.cmpf ogt, %parallel_loop3A_267, %parallel_loop3A_177 : vector<16xf32>
        %parallel_loop3A_269 = arith.select %parallel_loop3A_268, %parallel_loop3A_262, %parallel_loop3A_259 : vector<16xi1>, vector<16xi32>
        %parallel_loop3A_270 = arith.constant 3 : i32
        %parallel_loop3A_271 = vector.broadcast %parallel_loop3A_270 : i32 to vector<16xi32>
        %parallel_loop3A_272 = arith.addi %parallel_loop3A_269, %parallel_loop3A_271 : vector<16xi32>
        %parallel_loop3A_273 = arith.constant -2 : i32
        %parallel_loop3A_274 = vector.broadcast %parallel_loop3A_273 : i32 to vector<16xi32>
        %parallel_loop3A_275 = arith.addi %parallel_loop3A_272, %parallel_loop3A_274 : vector<16xi32>
        %parallel_loop3A_276 = tpu.vector_load_idx %arg6[%parallel_loop3A_275] : memref<768xf32, #tpu.memory_space<vmem>>[vector<16xi32>], vector<16xf32>,
        %parallel_loop3A_277 = arith.constant -1 : i32
        %parallel_loop3A_278 = vector.broadcast %parallel_loop3A_277 : i32 to vector<16xi32>
        %parallel_loop3A_279 = arith.addi %parallel_loop3A_272, %parallel_loop3A_278 : vector<16xi32>
        %parallel_loop3A_280 = tpu.vector_load_idx %arg6[%parallel_loop3A_279] : memref<768xf32, #tpu.memory_space<vmem>>[vector<16xi32>], vector<16xf32>,
        %parallel_loop3A_281 = arith.constant 0 : i32
        %parallel_loop3A_282 = vector.broadcast %parallel_loop3A_281 : i32 to vector<16xi32>
        %parallel_loop3A_283 = arith.addi %parallel_loop3A_272, %parallel_loop3A_282 : vector<16xi32>
        %parallel_loop3A_284 = tpu.vector_load_idx %arg6[%parallel_loop3A_283] : memref<768xf32, #tpu.memory_space<vmem>>[vector<16xi32>], vector<16xf32>,
        %parallel_loop3A_285 = arith.constant 1 : i32
        %parallel_loop3A_286 = vector.broadcast %parallel_loop3A_285 : i32 to vector<16xi32>
        %parallel_loop3A_287 = arith.addi %parallel_loop3A_272, %parallel_loop3A_286 : vector<16xi32>
        %parallel_loop3A_288 = tpu.vector_load_idx %arg6[%parallel_loop3A_287] : memref<768xf32, #tpu.memory_space<vmem>>[vector<16xi32>], vector<16xf32>,
        %parallel_loop3A_289 = arith.constant 2 : i32
        %parallel_loop3A_290 = vector.broadcast %parallel_loop3A_289 : i32 to vector<16xi32>
        %parallel_loop3A_291 = arith.addi %parallel_loop3A_272, %parallel_loop3A_290 : vector<16xi32>
        %parallel_loop3A_292 = tpu.vector_load_idx %arg6[%parallel_loop3A_291] : memref<768xf32, #tpu.memory_space<vmem>>[vector<16xi32>], vector<16xf32>,
        %parallel_loop3A_293 = arith.constant 3 : i32
        %parallel_loop3A_294 = vector.broadcast %parallel_loop3A_293 : i32 to vector<16xi32>
        %parallel_loop3A_295 = arith.addi %parallel_loop3A_272, %parallel_loop3A_294 : vector<16xi32>
        %parallel_loop3A_296 = tpu.vector_load_idx %arg6[%parallel_loop3A_295] : memref<768xf32, #tpu.memory_space<vmem>>[vector<16xi32>], vector<16xf32>,
        %parallel_loop3A_297 = arith.constant 1.000000e+00 : f32
        %parallel_loop3A_298 = vector.broadcast %parallel_loop3A_297 : f32 to vector<16xf32>
        %parallel_loop3A_299 = arith.constant 0.000000e+00 : f32
        %parallel_loop3A_300 = vector.broadcast %parallel_loop3A_299 : f32 to vector<16xf32>
        %parallel_loop3A_301 = arith.subf %parallel_loop3A_288, %parallel_loop3A_59 : vector<16xf32>
        %parallel_loop3A_302 = arith.subf %parallel_loop3A_59, %parallel_loop3A_284 : vector<16xf32>
        %parallel_loop3A_303 = arith.addf %parallel_loop3A_301, %parallel_loop3A_302 : vector<16xf32>
        %parallel_loop3A_304 = arith.constant 0.000000e+00 : f32
        %parallel_loop3A_305 = vector.broadcast %parallel_loop3A_304 : f32 to vector<16xf32>
        %parallel_loop3A_306 = arith.cmpf oeq, %parallel_loop3A_303, %parallel_loop3A_305 : vector<16xf32>
        %parallel_loop3A_307 = arith.constant 1.000000e+00 : f32
        %parallel_loop3A_308 = vector.broadcast %parallel_loop3A_307 : f32 to vector<16xf32>
        %parallel_loop3A_309 = arith.select %parallel_loop3A_306, %parallel_loop3A_308, %parallel_loop3A_303 : vector<16xi1>, vector<16xf32>
        %parallel_loop3A_310 = arith.divf %parallel_loop3A_298, %parallel_loop3A_309 : vector<16xf32>
        %parallel_loop3A_311 = arith.constant 9.99999974E-5 : f32
        %parallel_loop3A_312 = vector.broadcast %parallel_loop3A_311 : f32 to vector<16xf32>
        %parallel_loop3A_313 = arith.select %parallel_loop3A_306, %parallel_loop3A_312, %parallel_loop3A_310 : vector<16xi1>, vector<16xf32>
        %parallel_loop3A_314 = arith.subf %parallel_loop3A_288, %parallel_loop3A_59 : vector<16xf32>
        %parallel_loop3A_315 = arith.mulf %parallel_loop3A_314, %parallel_loop3A_313 : vector<16xf32>
        %parallel_loop3A_316 = arith.addf %parallel_loop3A_300, %parallel_loop3A_315 : vector<16xf32>
        %parallel_loop3A_317 = arith.subf %parallel_loop3A_59, %parallel_loop3A_284 : vector<16xf32>
        %parallel_loop3A_318 = arith.mulf %parallel_loop3A_317, %parallel_loop3A_313 : vector<16xf32>
        %parallel_loop3A_319 = arith.constant 0.000000e+00 : f32
        %parallel_loop3A_320 = vector.broadcast %parallel_loop3A_319 : f32 to vector<16xf32>
        %parallel_loop3A_321 = arith.subf %parallel_loop3A_288, %parallel_loop3A_59 : vector<16xf32>
        %parallel_loop3A_322 = arith.subf %parallel_loop3A_59, %parallel_loop3A_280 : vector<16xf32>
        %parallel_loop3A_323 = arith.addf %parallel_loop3A_321, %parallel_loop3A_322 : vector<16xf32>
        %parallel_loop3A_324 = arith.constant 0.000000e+00 : f32
        %parallel_loop3A_325 = vector.broadcast %parallel_loop3A_324 : f32 to vector<16xf32>
        %parallel_loop3A_326 = arith.cmpf oeq, %parallel_loop3A_323, %parallel_loop3A_325 : vector<16xf32>
        %parallel_loop3A_327 = arith.constant 1.000000e+00 : f32
        %parallel_loop3A_328 = vector.broadcast %parallel_loop3A_327 : f32 to vector<16xf32>
        %parallel_loop3A_329 = arith.select %parallel_loop3A_326, %parallel_loop3A_328, %parallel_loop3A_323 : vector<16xi1>, vector<16xf32>
        %parallel_loop3A_330 = arith.divf %parallel_loop3A_316, %parallel_loop3A_329 : vector<16xf32>
        %parallel_loop3A_331 = arith.constant 9.99999974E-5 : f32
        %parallel_loop3A_332 = vector.broadcast %parallel_loop3A_331 : f32 to vector<16xf32>
        %parallel_loop3A_333 = arith.select %parallel_loop3A_326, %parallel_loop3A_332, %parallel_loop3A_330 : vector<16xi1>, vector<16xf32>
        %parallel_loop3A_334 = arith.subf %parallel_loop3A_288, %parallel_loop3A_59 : vector<16xf32>
        %parallel_loop3A_335 = arith.mulf %parallel_loop3A_334, %parallel_loop3A_333 : vector<16xf32>
        %parallel_loop3A_336 = arith.addf %parallel_loop3A_320, %parallel_loop3A_335 : vector<16xf32>
        %parallel_loop3A_337 = arith.subf %parallel_loop3A_59, %parallel_loop3A_280 : vector<16xf32>
        %parallel_loop3A_338 = arith.mulf %parallel_loop3A_337, %parallel_loop3A_333 : vector<16xf32>
        %parallel_loop3A_339 = arith.subf %parallel_loop3A_292, %parallel_loop3A_59 : vector<16xf32>
        %parallel_loop3A_340 = arith.subf %parallel_loop3A_59, %parallel_loop3A_284 : vector<16xf32>
        %parallel_loop3A_341 = arith.addf %parallel_loop3A_339, %parallel_loop3A_340 : vector<16xf32>
        %parallel_loop3A_342 = arith.constant 0.000000e+00 : f32
        %parallel_loop3A_343 = vector.broadcast %parallel_loop3A_342 : f32 to vector<16xf32>
        %parallel_loop3A_344 = arith.cmpf oeq, %parallel_loop3A_341, %parallel_loop3A_343 : vector<16xf32>
        %parallel_loop3A_345 = arith.constant 1.000000e+00 : f32
        %parallel_loop3A_346 = vector.broadcast %parallel_loop3A_345 : f32 to vector<16xf32>
        %parallel_loop3A_347 = arith.select %parallel_loop3A_344, %parallel_loop3A_346, %parallel_loop3A_341 : vector<16xi1>, vector<16xf32>
        %parallel_loop3A_348 = arith.divf %parallel_loop3A_318, %parallel_loop3A_347 : vector<16xf32>
        %parallel_loop3A_349 = arith.constant 9.99999974E-5 : f32
        %parallel_loop3A_350 = vector.broadcast %parallel_loop3A_349 : f32 to vector<16xf32>
        %parallel_loop3A_351 = arith.select %parallel_loop3A_344, %parallel_loop3A_350, %parallel_loop3A_348 : vector<16xi1>, vector<16xf32>
        %parallel_loop3A_352 = arith.subf %parallel_loop3A_292, %parallel_loop3A_59 : vector<16xf32>
        %parallel_loop3A_353 = arith.mulf %parallel_loop3A_352, %parallel_loop3A_351 : vector<16xf32>
        %parallel_loop3A_354 = arith.addf %parallel_loop3A_338, %parallel_loop3A_353 : vector<16xf32>
        %parallel_loop3A_355 = arith.subf %parallel_loop3A_59, %parallel_loop3A_284 : vector<16xf32>
        %parallel_loop3A_356 = arith.mulf %parallel_loop3A_355, %parallel_loop3A_351 : vector<16xf32>
        %parallel_loop3A_357 = arith.constant 0.000000e+00 : f32
        %parallel_loop3A_358 = vector.broadcast %parallel_loop3A_357 : f32 to vector<16xf32>
        %parallel_loop3A_359 = arith.subf %parallel_loop3A_288, %parallel_loop3A_59 : vector<16xf32>
        %parallel_loop3A_360 = arith.subf %parallel_loop3A_59, %parallel_loop3A_276 : vector<16xf32>
        %parallel_loop3A_361 = arith.addf %parallel_loop3A_359, %parallel_loop3A_360 : vector<16xf32>
        %parallel_loop3A_362 = arith.constant 0.000000e+00 : f32
        %parallel_loop3A_363 = vector.broadcast %parallel_loop3A_362 : f32 to vector<16xf32>
        %parallel_loop3A_364 = arith.cmpf oeq, %parallel_loop3A_361, %parallel_loop3A_363 : vector<16xf32>
        %parallel_loop3A_365 = arith.constant 1.000000e+00 : f32
        %parallel_loop3A_366 = vector.broadcast %parallel_loop3A_365 : f32 to vector<16xf32>
        %parallel_loop3A_367 = arith.select %parallel_loop3A_364, %parallel_loop3A_366, %parallel_loop3A_361 : vector<16xi1>, vector<16xf32>
        %parallel_loop3A_368 = arith.divf %parallel_loop3A_336, %parallel_loop3A_367 : vector<16xf32>
        %parallel_loop3A_369 = arith.constant 9.99999974E-5 : f32
        %parallel_loop3A_370 = vector.broadcast %parallel_loop3A_369 : f32 to vector<16xf32>
        %parallel_loop3A_371 = arith.select %parallel_loop3A_364, %parallel_loop3A_370, %parallel_loop3A_368 : vector<16xi1>, vector<16xf32>
        %parallel_loop3A_372 = arith.subf %parallel_loop3A_288, %parallel_loop3A_59 : vector<16xf32>
        %parallel_loop3A_373 = arith.mulf %parallel_loop3A_372, %parallel_loop3A_371 : vector<16xf32>
        %parallel_loop3A_374 = arith.addf %parallel_loop3A_358, %parallel_loop3A_373 : vector<16xf32>
        %parallel_loop3A_375 = arith.subf %parallel_loop3A_59, %parallel_loop3A_276 : vector<16xf32>
        %parallel_loop3A_376 = arith.mulf %parallel_loop3A_375, %parallel_loop3A_371 : vector<16xf32>
        %parallel_loop3A_377 = arith.subf %parallel_loop3A_292, %parallel_loop3A_59 : vector<16xf32>
        %parallel_loop3A_378 = arith.subf %parallel_loop3A_59, %parallel_loop3A_280 : vector<16xf32>
        %parallel_loop3A_379 = arith.addf %parallel_loop3A_377, %parallel_loop3A_378 : vector<16xf32>
        %parallel_loop3A_380 = arith.constant 0.000000e+00 : f32
        %parallel_loop3A_381 = vector.broadcast %parallel_loop3A_380 : f32 to vector<16xf32>
        %parallel_loop3A_382 = arith.cmpf oeq, %parallel_loop3A_379, %parallel_loop3A_381 : vector<16xf32>
        %parallel_loop3A_383 = arith.constant 1.000000e+00 : f32
        %parallel_loop3A_384 = vector.broadcast %parallel_loop3A_383 : f32 to vector<16xf32>
        %parallel_loop3A_385 = arith.select %parallel_loop3A_382, %parallel_loop3A_384, %parallel_loop3A_379 : vector<16xi1>, vector<16xf32>
        %parallel_loop3A_386 = arith.divf %parallel_loop3A_354, %parallel_loop3A_385 : vector<16xf32>
        %parallel_loop3A_387 = arith.constant 9.99999974E-5 : f32
        %parallel_loop3A_388 = vector.broadcast %parallel_loop3A_387 : f32 to vector<16xf32>
        %parallel_loop3A_389 = arith.select %parallel_loop3A_382, %parallel_loop3A_388, %parallel_loop3A_386 : vector<16xi1>, vector<16xf32>
        %parallel_loop3A_390 = arith.subf %parallel_loop3A_292, %parallel_loop3A_59 : vector<16xf32>
        %parallel_loop3A_391 = arith.mulf %parallel_loop3A_390, %parallel_loop3A_389 : vector<16xf32>
        %parallel_loop3A_392 = arith.addf %parallel_loop3A_376, %parallel_loop3A_391 : vector<16xf32>
        %parallel_loop3A_393 = arith.subf %parallel_loop3A_59, %parallel_loop3A_280 : vector<16xf32>
        %parallel_loop3A_394 = arith.mulf %parallel_loop3A_393, %parallel_loop3A_389 : vector<16xf32>
        %parallel_loop3A_395 = arith.subf %parallel_loop3A_296, %parallel_loop3A_59 : vector<16xf32>
        %parallel_loop3A_396 = arith.subf %parallel_loop3A_59, %parallel_loop3A_284 : vector<16xf32>
        %parallel_loop3A_397 = arith.addf %parallel_loop3A_395, %parallel_loop3A_396 : vector<16xf32>
        %parallel_loop3A_398 = arith.constant 0.000000e+00 : f32
        %parallel_loop3A_399 = vector.broadcast %parallel_loop3A_398 : f32 to vector<16xf32>
        %parallel_loop3A_400 = arith.cmpf oeq, %parallel_loop3A_397, %parallel_loop3A_399 : vector<16xf32>
        %parallel_loop3A_401 = arith.constant 1.000000e+00 : f32
        %parallel_loop3A_402 = vector.broadcast %parallel_loop3A_401 : f32 to vector<16xf32>
        %parallel_loop3A_403 = arith.select %parallel_loop3A_400, %parallel_loop3A_402, %parallel_loop3A_397 : vector<16xi1>, vector<16xf32>
        %parallel_loop3A_404 = arith.divf %parallel_loop3A_356, %parallel_loop3A_403 : vector<16xf32>
        %parallel_loop3A_405 = arith.constant 9.99999974E-5 : f32
        %parallel_loop3A_406 = vector.broadcast %parallel_loop3A_405 : f32 to vector<16xf32>
        %parallel_loop3A_407 = arith.select %parallel_loop3A_400, %parallel_loop3A_406, %parallel_loop3A_404 : vector<16xi1>, vector<16xf32>
        %parallel_loop3A_408 = arith.subf %parallel_loop3A_296, %parallel_loop3A_59 : vector<16xf32>
        %parallel_loop3A_409 = arith.mulf %parallel_loop3A_408, %parallel_loop3A_407 : vector<16xf32>
        %parallel_loop3A_410 = arith.addf %parallel_loop3A_394, %parallel_loop3A_409 : vector<16xf32>
        %parallel_loop3A_411 = arith.subf %parallel_loop3A_59, %parallel_loop3A_284 : vector<16xf32>
        %parallel_loop3A_412 = arith.mulf %parallel_loop3A_411, %parallel_loop3A_407 : vector<16xf32>
        %parallel_loop3A_413 = arith.constant 3 : i32
        %parallel_loop3A_414 = vector.broadcast %parallel_loop3A_413 : i32 to vector<16xi32>
        %parallel_loop3A_415 = arith.muli %parallel_loop3A_272, %parallel_loop3A_414 : vector<16xi32>
        %parallel_loop3A_416 = arith.constant 9 : i32
        %parallel_loop3A_417 = vector.broadcast %parallel_loop3A_416 : i32 to vector<16xi32>
        %parallel_loop3A_418 = arith.subi %parallel_loop3A_415, %parallel_loop3A_417 : vector<16xi32>
        %parallel_loop3A_419 = arith.constant 0.000000e+00 : f32
        %parallel_loop3A_420 = vector.broadcast %parallel_loop3A_419 : f32 to vector<16xf32>
        %parallel_loop3A_421 = arith.constant 0 : i32
        %parallel_loop3A_422 = vector.broadcast %parallel_loop3A_421 : i32 to vector<16xi32>
        %parallel_loop3A_423 = arith.addi %parallel_loop3A_418, %parallel_loop3A_422 : vector<16xi32>
        %parallel_loop3A_424 = tpu.vector_load_idx %arg7[%parallel_loop3A_423] : memref<1536xf32, #tpu.memory_space<vmem>>[vector<16xi32>], vector<16xf32>,
        %parallel_loop3A_425 = arith.mulf %parallel_loop3A_374, %parallel_loop3A_424 : vector<16xf32>
        %parallel_loop3A_426 = arith.addf %parallel_loop3A_420, %parallel_loop3A_425 : vector<16xf32>
        %parallel_loop3A_427 = arith.constant 3 : i32
        %parallel_loop3A_428 = vector.broadcast %parallel_loop3A_427 : i32 to vector<16xi32>
        %parallel_loop3A_429 = arith.addi %parallel_loop3A_418, %parallel_loop3A_428 : vector<16xi32>
        %parallel_loop3A_430 = tpu.vector_load_idx %arg7[%parallel_loop3A_429] : memref<1536xf32, #tpu.memory_space<vmem>>[vector<16xi32>], vector<16xf32>,
        %parallel_loop3A_431 = arith.mulf %parallel_loop3A_392, %parallel_loop3A_430 : vector<16xf32>
        %parallel_loop3A_432 = arith.addf %parallel_loop3A_426, %parallel_loop3A_431 : vector<16xf32>
        %parallel_loop3A_433 = arith.constant 6 : i32
        %parallel_loop3A_434 = vector.broadcast %parallel_loop3A_433 : i32 to vector<16xi32>
        %parallel_loop3A_435 = arith.addi %parallel_loop3A_418, %parallel_loop3A_434 : vector<16xi32>
        %parallel_loop3A_436 = tpu.vector_load_idx %arg7[%parallel_loop3A_435] : memref<1536xf32, #tpu.memory_space<vmem>>[vector<16xi32>], vector<16xf32>,
        %parallel_loop3A_437 = arith.mulf %parallel_loop3A_410, %parallel_loop3A_436 : vector<16xf32>
        %parallel_loop3A_438 = arith.addf %parallel_loop3A_432, %parallel_loop3A_437 : vector<16xf32>
        %parallel_loop3A_439 = arith.constant 9 : i32
        %parallel_loop3A_440 = vector.broadcast %parallel_loop3A_439 : i32 to vector<16xi32>
        %parallel_loop3A_441 = arith.addi %parallel_loop3A_418, %parallel_loop3A_440 : vector<16xi32>
        %parallel_loop3A_442 = tpu.vector_load_idx %arg7[%parallel_loop3A_441] : memref<1536xf32, #tpu.memory_space<vmem>>[vector<16xi32>], vector<16xf32>,
        %parallel_loop3A_443 = arith.mulf %parallel_loop3A_412, %parallel_loop3A_442 : vector<16xf32>
        %parallel_loop3A_444 = arith.addf %parallel_loop3A_438, %parallel_loop3A_443 : vector<16xf32>
        %parallel_loop3A_445 = arith.constant 3 : i32
        %parallel_loop3A_446 = vector.broadcast %parallel_loop3A_445 : i32 to vector<16xi32>
        %parallel_loop3A_447 = arith.muli %parallel_loop3A_57, %parallel_loop3A_446 : vector<16xi32>
        %parallel_loop3A_448 = arith.constant 0 : i32
        %parallel_loop3A_449 = vector.broadcast %parallel_loop3A_448 : i32 to vector<16xi32>
        %parallel_loop3A_450 = arith.addi %parallel_loop3A_447, %parallel_loop3A_449 : vector<16xi32>
        tpu.vector_store_idx %arg9[%parallel_loop3A_450], %parallel_loop3A_444 : memref<1536xf32, #tpu.memory_space<vmem>>[vector<16xi32>], vector<16xf32>,
        %parallel_loop3A_451 = arith.constant 0.000000e+00 : f32
        %parallel_loop3A_452 = vector.broadcast %parallel_loop3A_451 : f32 to vector<16xf32>
        %parallel_loop3A_453 = arith.constant 1 : i32
        %parallel_loop3A_454 = vector.broadcast %parallel_loop3A_453 : i32 to vector<16xi32>
        %parallel_loop3A_455 = arith.addi %parallel_loop3A_418, %parallel_loop3A_454 : vector<16xi32>
        %parallel_loop3A_456 = tpu.vector_load_idx %arg7[%parallel_loop3A_455] : memref<1536xf32, #tpu.memory_space<vmem>>[vector<16xi32>], vector<16xf32>,
        %parallel_loop3A_457 = arith.mulf %parallel_loop3A_374, %parallel_loop3A_456 : vector<16xf32>
        %parallel_loop3A_458 = arith.addf %parallel_loop3A_452, %parallel_loop3A_457 : vector<16xf32>
        %parallel_loop3A_459 = arith.constant 4 : i32
        %parallel_loop3A_460 = vector.broadcast %parallel_loop3A_459 : i32 to vector<16xi32>
        %parallel_loop3A_461 = arith.addi %parallel_loop3A_418, %parallel_loop3A_460 : vector<16xi32>
        %parallel_loop3A_462 = tpu.vector_load_idx %arg7[%parallel_loop3A_461] : memref<1536xf32, #tpu.memory_space<vmem>>[vector<16xi32>], vector<16xf32>,
        %parallel_loop3A_463 = arith.mulf %parallel_loop3A_392, %parallel_loop3A_462 : vector<16xf32>
        %parallel_loop3A_464 = arith.addf %parallel_loop3A_458, %parallel_loop3A_463 : vector<16xf32>
        %parallel_loop3A_465 = arith.constant 7 : i32
        %parallel_loop3A_466 = vector.broadcast %parallel_loop3A_465 : i32 to vector<16xi32>
        %parallel_loop3A_467 = arith.addi %parallel_loop3A_418, %parallel_loop3A_466 : vector<16xi32>
        %parallel_loop3A_468 = tpu.vector_load_idx %arg7[%parallel_loop3A_467] : memref<1536xf32, #tpu.memory_space<vmem>>[vector<16xi32>], vector<16xf32>,
        %parallel_loop3A_469 = arith.mulf %parallel_loop3A_410, %parallel_loop3A_468 : vector<16xf32>
        %parallel_loop3A_470 = arith.addf %parallel_loop3A_464, %parallel_loop3A_469 : vector<16xf32>
        %parallel_loop3A_471 = arith.constant 10 : i32
        %parallel_loop3A_472 = vector.broadcast %parallel_loop3A_471 : i32 to vector<16xi32>
        %parallel_loop3A_473 = arith.addi %parallel_loop3A_418, %parallel_loop3A_472 : vector<16xi32>
        %parallel_loop3A_474 = tpu.vector_load_idx %arg7[%parallel_loop3A_473] : memref<1536xf32, #tpu.memory_space<vmem>>[vector<16xi32>], vector<16xf32>,
        %parallel_loop3A_475 = arith.mulf %parallel_loop3A_412, %parallel_loop3A_474 : vector<16xf32>
        %parallel_loop3A_476 = arith.addf %parallel_loop3A_470, %parallel_loop3A_475 : vector<16xf32>
        %parallel_loop3A_477 = arith.constant 3 : i32
        %parallel_loop3A_478 = vector.broadcast %parallel_loop3A_477 : i32 to vector<16xi32>
        %parallel_loop3A_479 = arith.muli %parallel_loop3A_57, %parallel_loop3A_478 : vector<16xi32>
        %parallel_loop3A_480 = arith.constant 1 : i32
        %parallel_loop3A_481 = vector.broadcast %parallel_loop3A_480 : i32 to vector<16xi32>
        %parallel_loop3A_482 = arith.addi %parallel_loop3A_479, %parallel_loop3A_481 : vector<16xi32>
        tpu.vector_store_idx %arg9[%parallel_loop3A_482], %parallel_loop3A_476 : memref<1536xf32, #tpu.memory_space<vmem>>[vector<16xi32>], vector<16xf32>,
        %parallel_loop3A_483 = arith.constant 0.000000e+00 : f32
        %parallel_loop3A_484 = vector.broadcast %parallel_loop3A_483 : f32 to vector<16xf32>
        %parallel_loop3A_485 = arith.constant 2 : i32
        %parallel_loop3A_486 = vector.broadcast %parallel_loop3A_485 : i32 to vector<16xi32>
        %parallel_loop3A_487 = arith.addi %parallel_loop3A_418, %parallel_loop3A_486 : vector<16xi32>
        %parallel_loop3A_488 = tpu.vector_load_idx %arg7[%parallel_loop3A_487] : memref<1536xf32, #tpu.memory_space<vmem>>[vector<16xi32>], vector<16xf32>,
        %parallel_loop3A_489 = arith.mulf %parallel_loop3A_374, %parallel_loop3A_488 : vector<16xf32>
        %parallel_loop3A_490 = arith.addf %parallel_loop3A_484, %parallel_loop3A_489 : vector<16xf32>
        %parallel_loop3A_491 = arith.constant 5 : i32
        %parallel_loop3A_492 = vector.broadcast %parallel_loop3A_491 : i32 to vector<16xi32>
        %parallel_loop3A_493 = arith.addi %parallel_loop3A_418, %parallel_loop3A_492 : vector<16xi32>
        %parallel_loop3A_494 = tpu.vector_load_idx %arg7[%parallel_loop3A_493] : memref<1536xf32, #tpu.memory_space<vmem>>[vector<16xi32>], vector<16xf32>,
        %parallel_loop3A_495 = arith.mulf %parallel_loop3A_392, %parallel_loop3A_494 : vector<16xf32>
        %parallel_loop3A_496 = arith.addf %parallel_loop3A_490, %parallel_loop3A_495 : vector<16xf32>
        %parallel_loop3A_497 = arith.constant 8 : i32
        %parallel_loop3A_498 = vector.broadcast %parallel_loop3A_497 : i32 to vector<16xi32>
        %parallel_loop3A_499 = arith.addi %parallel_loop3A_418, %parallel_loop3A_498 : vector<16xi32>
        %parallel_loop3A_500 = tpu.vector_load_idx %arg7[%parallel_loop3A_499] : memref<1536xf32, #tpu.memory_space<vmem>>[vector<16xi32>], vector<16xf32>,
        %parallel_loop3A_501 = arith.mulf %parallel_loop3A_410, %parallel_loop3A_500 : vector<16xf32>
        %parallel_loop3A_502 = arith.addf %parallel_loop3A_496, %parallel_loop3A_501 : vector<16xf32>
        %parallel_loop3A_503 = arith.constant 11 : i32
        %parallel_loop3A_504 = vector.broadcast %parallel_loop3A_503 : i32 to vector<16xi32>
        %parallel_loop3A_505 = arith.addi %parallel_loop3A_418, %parallel_loop3A_504 : vector<16xi32>
        %parallel_loop3A_506 = tpu.vector_load_idx %arg7[%parallel_loop3A_505] : memref<1536xf32, #tpu.memory_space<vmem>>[vector<16xi32>], vector<16xf32>,
        %parallel_loop3A_507 = arith.mulf %parallel_loop3A_412, %parallel_loop3A_506 : vector<16xf32>
        %parallel_loop3A_508 = arith.addf %parallel_loop3A_502, %parallel_loop3A_507 : vector<16xf32>
        %parallel_loop3A_509 = arith.constant 3 : i32
        %parallel_loop3A_510 = vector.broadcast %parallel_loop3A_509 : i32 to vector<16xi32>
        %parallel_loop3A_511 = arith.muli %parallel_loop3A_57, %parallel_loop3A_510 : vector<16xi32>
        %parallel_loop3A_512 = arith.constant 2 : i32
        %parallel_loop3A_513 = vector.broadcast %parallel_loop3A_512 : i32 to vector<16xi32>
        %parallel_loop3A_514 = arith.addi %parallel_loop3A_511, %parallel_loop3A_513 : vector<16xi32>
        tpu.vector_store_idx %arg9[%parallel_loop3A_514], %parallel_loop3A_508 : memref<1536xf32, #tpu.memory_space<vmem>>[vector<16xi32>], vector<16xf32>,
      } {sc.loop_unroll_factor = 1 : i64, sc.parallel_access}
      %dma_start3A_48 = arith.constant 0 : i32
      %dma_start3A_49 = tpu.memref_slice %arg5[%add3A_20, %dma_start3A_48] : memref<128x1536xf32, #tpu.memory_space<hbm>> -> memref<1x1536xf32, #tpu.memory_space<hbm>>
      %dma_start3A_50 = tpu.memref_squeeze %dma_start3A_49 : memref<1x1536xf32, #tpu.memory_space<hbm>> -> memref<1536xf32, #tpu.memory_space<hbm>>
      %dma_start3A_51 = arith.constant 0 : i32
      %dma_start3A_52 = tpu.memref_slice %arg5[%add3A_20, %dma_start3A_51] : memref<128x1536xf32, #tpu.memory_space<hbm>> -> memref<1x1536xf32, #tpu.memory_space<hbm>>
      %dma_start3A_53 = tpu.memref_squeeze %dma_start3A_52 : memref<1x1536xf32, #tpu.memory_space<hbm>> -> memref<1536xf32, #tpu.memory_space<hbm>>
      tpu.enqueue_dma source(%arg9 : memref<1536xf32, #tpu.memory_space<vmem>>) target(%dma_start3A_53 : memref<1536xf32, #tpu.memory_space<hbm>>) target_semaphore(%arg12 : memref<!tpu.dma_semaphore, #tpu.memory_space<semaphore_mem>>)
      %scan3A_54 = arith.constant 0 : i32
      scf.yield %scan3A_54 : i32
    }
    %scan3A_6 = arith.constant 4 : i32
    %mul3A_7 = arith.constant 4 : i32
    %mul3A_8 = arith.muli %add3A, %mul3A_7 : i32
    %add3A_9 = arith.constant 3 : i32
    %add3A_10 = arith.addi %mul3A_8, %add3A_9 : i32
    %dma_wait3A = arith.constant 0 : i32
    %dma_wait3A_11 = tpu.memref_slice %arg5[%add3A_10, %dma_wait3A] : memref<128x1536xf32, #tpu.memory_space<hbm>> -> memref<1x1536xf32, #tpu.memory_space<hbm>>
    %dma_wait3A_12 = tpu.memref_squeeze %dma_wait3A_11 : memref<1x1536xf32, #tpu.memory_space<hbm>> -> memref<1536xf32, #tpu.memory_space<hbm>>
    %dma_wait3A_13 = arith.constant 0 : i32
    %dma_wait3A_14 = tpu.memref_slice %arg5[%add3A_10, %dma_wait3A_13] : memref<128x1536xf32, #tpu.memory_space<hbm>> -> memref<1x1536xf32, #tpu.memory_space<hbm>>
    %dma_wait3A_15 = tpu.memref_squeeze %dma_wait3A_14 : memref<1x1536xf32, #tpu.memory_space<hbm>> -> memref<1536xf32, #tpu.memory_space<hbm>>
    tpu.wait_dma2 semaphore(%arg12 : memref<!tpu.dma_semaphore, #tpu.memory_space<semaphore_mem>>) src(%arg9 : memref<1536xf32, #tpu.memory_space<vmem>>) dst(%dma_wait3A_15 : memref<1536xf32, #tpu.memory_space<hbm>>)
    return
  }
}

</mosaic_0001>

<sc_bundles>
// kernel: _curve_eval_sc.3.cloned.1.call-start
scs
__scs_entry_jumppad:
0x0: {  	(pc) =	sbr.rel $0x88, $3  }
0x1: {  	(tag) =	ssettag $0x0;
	lr =	simm.s32 $0x1  }
0x2: {  	[smem:$0x3F9E] =	sst lr;
	_ =	strace $0xD0000000  }
0x3: {  	_ = 	snop  }
0x4: {  	_ = 	snop  }
0x5: {  	_ = 	snop  }
0x6: {  	_ = 	snop  }
0x7: {  	_ = 	snop  }
__scs_overlays_trampoline_lowered:
0x8: {  	[smem:$0x3FAD] =	sst s0  }
0x9: {  	[smem:$0x3FAE] =	sst s1  }
0xa: {  	[smem:$0x3FAF] =	sst s2  }
0xb: {  	[smem:$0x3FB0] =	sst s3  }
0xc: {  	[smem:$0x3FB1] =	sst s4  }
0xd: {  	[smem:$0x3FB2] =	sst s5  }
0xe: {  	[smem:$0x3FB3] =	sst s6  }
0xf: {  	[smem:$0x3FB4] =	sst s7  }
0x10: {  	[smem:$0x3FB5] =	sst s8  }
0x11: {  	[smem:$0x3FB6] =	sst s9;
	s0 =	simm.s32 @!p0 $0x0  }
0x12: {  	s1 =	sld [smem:$0x3F9C];
	s0 =	simm.s32 @p0 $0x1  }
0x13: {  	[smem:$0x3FB7] =	sst s0;
	s0 =	simm.s32 @!p1 $0x0  }
0x14: {  	s2 =	sld [smem:$0x3F9B];
	s0 =	simm.s32 @p1 $0x1  }
0x15: {  	[smem:$0x3FB8] =	sst s0;
	s0 =	simm.s32 @!p2 $0x0  }
0x16: {  	s3 =	sld [smem:$0x3FDB];
	s0 =	simm.s32 @p2 $0x1  }
0x17: {  	s4 =	simm.s32 $0x1BF5;
	[smem:$0x3FBA] =	sst s0  }
0x18: {  	s0 =	sld [smem:$0x3F9D];
	_ =	swait.ge [sflag:s4], $0x0  }
0x19: {  	s7 =	sld [smem:$0x3F9E]  }
0x1a: {  	s8 =	sadd.s32 $0xFFFFE003, lr  }
0x1b: {  	s9 =	sadd.s32 $0xFFFFFEF7, lr;
	s5 =	simm.s32 $0xFFFFFFFF;
	p2 =	slt.u32 s8, $0xFFFFF086  }
0x1c: {  	p1 =	slt.u32 s9, $0xF7A;
	s5 =	simm.s32 @!p2 $0x0  }
0x1d: {  	s5 =	simm.s32 @p1 $0x1;
	p0 =	seq.s32 s7, s2  }
0x1e: {  	s7 =	smul.u32 @!p0 $0xF7A, s2;
	p2 =	seq.s32 @!p0 s5, $0x0  }
0x1f: {  	s9 =	smul.u32 $0xF7A, s1;
	s8 =	simm.s32 @!p0 $0x1BF5;
	p2 =	por !p2, p0  }
0x20: {  	[sflag:s8] =	ssyncset.s32 @!p0 $0xFFFFF086;
	s6 =	sadd.s32 @!p0 s3, s7;
	s7 =	simm.s32 @!p0 $0x108  }
0x21: {  	s3 =	sadd.s32 s3, s9;
	s6 =	sadd.s32 @!p0 $0x88, s6;
	s7 =	simm.s32 @p2 $0x1082  }
0x22: {  	[simem:s7], [sflag:s8] =	dma.local @!p0 [hbm:s6], $0xF7A  }
0x23: {  	s9 =	sor.u32 $0xD0000000, s2;
	s6 =	simm.s32 $0x108;
	_ =	swait.ge @!p0 [sflag:s8], $0x0  }
0x24: {  	s3 =	sadd.s32 $0x88, s3;
	s6 =	simm.s32 @!p1 $0x1082;
	[sflag:s4] =	ssyncset.s32 $0xFFFFF086  }
0x25: {  	[simem:s6], [sflag:s4] =	dma.local [hbm:s3], $0xF7A  }
0x26: {  	[smem:$0x3F9E] =	sst s1;
	(tag) =	ssettag s2;
	_ =	strace s9  }
0x27: {  	s1 =	sld [smem:$0x3FAE]  }
0x28: {  	s2 =	sld [smem:$0x3FAF]  }
0x29: {  	s4 =	sld [smem:$0x3FB1]  }
0x2a: {  	p0 =	seq.s32 s5, $0x0;
	s5 =	sld [smem:$0x3FB2]  }
0x2b: {  	s6 =	sld [smem:$0x3FB3]  }
0x2c: {  	s7 =	sld [smem:$0x3FB4]  }
0x2d: {  	s3 =	simm.s32 $0x108;
	s8 =	sld [smem:$0x3FB5]  }
0x2e: {  	s3 =	simm.s32 @!p0 $0x1082;
	s9 =	sld [smem:$0x3FB6]  }
0x2f: {  	lr =	sadd.s32 s0, s3;
	s0 =	sld [smem:$0x3FAD]  }
0x30: {  	s3 =	sld [smem:$0x3FB0]  }
0x31: {  	[smem:$0x3FB9] =	sst s10  }
0x32: {  	s10 =	sld [smem:$0x3FB7];
	_ =	sdelay $0x3  }
0x33: {  	p0 =	seq.s32 s10, $0x1;
	s10 =	sld [smem:$0x3FB9];
	_ =	sdelay $0x3  }
0x34: {  	[smem:$0x3FB9] =	sst s10  }
0x35: {  	s10 =	sld [smem:$0x3FB8];
	_ =	sdelay $0x3  }
0x36: {  	p1 =	seq.s32 s10, $0x1;
	s10 =	sld [smem:$0x3FB9];
	_ =	sdelay $0x3  }
0x37: {  	[smem:$0x3FB9] =	sst s10  }
0x38: {  	s10 =	sld [smem:$0x3FBA]  }
0x39: {  	_ = 	snop;
	(pc) =	sbr.ind lr, $3  }
0x3a: {  	_ = 	snop  }
0x3b: {  	_ = 	snop  }
0x3c: {  	p2 =	seq.s32 s10, $0x1;
	s10 =	sld [smem:$0x3FB9]  }
0x3d: {  	_ =	shalt  }
0x3e: {  	_ =	shalt  }
0x3f: {  	_ =	shalt  }
0x40: {  	_ =	shalt  }
0x41: {  	_ =	shalt  }
0x42: {  	_ =	shalt  }
0x43: {  	_ =	shalt  }
0x44: {  	_ =	shalt  }
0x45: {  	_ =	shalt  }
0x46: {  	_ =	shalt  }
0x47: {  	_ =	shalt  }
0x48: {  	_ =	shalt  }
0x49: {  	_ =	shalt  }
0x4a: {  	_ =	shalt  }
0x4b: {  	_ =	shalt  }
0x4c: {  	_ =	shalt  }
0x4d: {  	_ =	shalt  }
0x4e: {  	_ =	shalt  }
0x4f: {  	_ =	shalt  }
0x50: {  	_ =	shalt  }
0x51: {  	_ =	shalt  }
0x52: {  	_ =	shalt  }
0x53: {  	_ =	shalt  }
0x54: {  	_ =	shalt  }
0x55: {  	_ =	shalt  }
0x56: {  	_ =	shalt  }
0x57: {  	_ =	shalt  }
0x58: {  	_ =	shalt  }
0x59: {  	_ =	shalt  }
0x5a: {  	_ =	shalt  }
0x5b: {  	_ =	shalt  }
0x5c: {  	_ =	shalt  }
0x5d: {  	_ =	shalt  }
0x5e: {  	_ =	shalt  }
0x5f: {  	_ =	shalt  }
0x60: {  	_ =	shalt  }
0x61: {  	_ =	shalt  }
0x62: {  	_ =	shalt  }
0x63: {  	_ =	shalt  }
0x64: {  	_ =	shalt  }
0x65: {  	_ =	shalt  }
0x66: {  	_ =	shalt  }
0x67: {  	_ =	shalt  }
0x68: {  	_ =	shalt  }
0x69: {  	_ =	shalt  }
0x6a: {  	_ =	shalt  }
0x6b: {  	_ =	shalt  }
0x6c: {  	_ =	shalt  }
0x6d: {  	_ =	shalt  }
0x6e: {  	_ =	shalt  }
0x6f: {  	_ =	shalt  }
0x70: {  	_ =	shalt  }
0x71: {  	_ =	shalt  }
0x72: {  	_ =	shalt  }
0x73: {  	_ =	shalt  }
0x74: {  	_ =	shalt  }
0x75: {  	_ =	shalt  }
0x76: {  	_ =	shalt  }
0x77: {  	_ =	shalt  }
0x78: {  	_ =	shalt  }
0x79: {  	_ =	shalt  }
0x7a: {  	_ =	shalt  }
0x7b: {  	_ =	shalt  }
0x7c: {  	_ =	shalt  }
0x7d: {  	_ =	shalt  }
0x7e: {  	_ =	shalt  }
0x7f: {  	_ =	shalt  }
0x80: {  	_ =	shalt  }
0x81: {  	_ =	shalt  }
0x82: {  	_ =	shalt  }
0x83: {  	_ =	shalt  }
0x84: {  	_ =	shalt  }
0x85: {  	_ =	shalt  }
0x86: {  	_ =	shalt  }
0x87: {  	_ =	shalt  }
.Lfunc_end0:
.L_simem_size_0:
called_computation_lowered:
.L_overlay_start_0:
0x88: {  	s2 =	sld [smem:$0x3FD9]  }
0x89: {  	s3 =	sld [smem:$0x3FFE];
	_ =	sdelay $0x1  }
0x8a: {  	s1 =	srdreg.scid  }
0x8b: {  	s0 =	sand.u32 $0x1, s1  }
0x8c: {  	s18 =	sshll.u32 s0, $0xA;
	s2 =	sadd.s32 s3, s2  }
0x8d: {  	s2 =	sadd.s32 s2, s18  }
0x8e: {  	[smem:$0x3FC5] =	sst s2  }
0x8f: {  	_ = 	snop  }
0x90: {  	s2 =	sld [smem:$0x3FC9]  }
0x91: {  	s19 =	sld [smem:$0x3FC8]  }
0x92: {  	s4 =	sld [smem:$0x3FC7]  }
0x93: {  	s5 =	sld [smem:$0x3FD0];
	(tm) =	ssettm $0x1  }
0x94: {  	s6 =	sld [smem:$0x3FFB];
	_ =	sdelay $0x3  }
0x95: {  	_ =	strace s6  }
0x96: {  	s6 =	sld [smem:$0x3FFC];
	_ =	sdelay $0x3  }
0x97: {  	_ =	strace s6  }
0x98: {  	s6 =	sld [smem:$0x3FFD];
	_ =	sdelay $0x3  }
0x99: {  	_ =	strace s6  }
0x9a: {  	_ =	strace $0x8FFFFFFF  }
0x9b: {  	s20 =	sld [smem:$0x3FDB];
	_ =	sdelay $0x1  }
0x9c: {  	s7 =	simm.s32 $_scs_section_size  }
0x9d: {  	s8 =	simm.s32 $_size__tile_overlayer_lowered;
	s9 =	simm.s32 $_tile_overlayer_lowered  }
0x9e: {  	s23 =	simm.s32 $0x1BFF;
	s22 =	sshll.u32 s9, $0x1;
	s6 =	sadd.s32 s7, s20  }
0x9f: {  	s10 =	simm.s32 $0x0;
	s21 =	sshll.u32 s8, $0x1;
	s8 =	sadd.s32 s22, s6  }
0xa0: {  	[timem:s10], [sflag:s23] =	dma.local [hbm:s8], s21  }
0xa1: {  	_ =	swait.ge [sflag:s23], s21  }
0xa2: {  	s7 =	ssub.s32 $0x0, s21;
	[sflag:s23] =	ssyncset.done $0x0  }
0xa3: {  	[sflag:s23] =	ssyncadd.s32 s7;
	_ =	sdelay $0x1  }
0xa4: {  	s24 =	simm.s32 $0x1B8B  }
0xa5: {  	_ =	swait.ge [sflag:s24], $0x1  }
0xa6: {  	[sflag:s24] =	ssyncset.done $0x0  }
0xa7: {  	s25 =	simm.s32 $0x1B8E;
	[sflag:s24] =	ssyncadd.s32 $0xFFFFFFFF  }
0xa8: {  	s26 =	simm.s32 $execute0_lowered;
	[smem:$0x3FD2] =	sst s25  }
0xa9: {  	s7 =	sshll.u32 s26, $0x1;
	_ =	strace $0x80000046;
	[dreg:$0x1] =	wrdreg $0xFFFFFFFF  }
0xaa: {  	s28 =	simm.s32 $_size_execute0_lowered;
	s6 =	sadd.s32 s6, s7;
	[dreg:$0x0] =	wrdreg $0x0  }
0xab: {  	s7 =	sshll.u32 s28, $0x1;
	[dreg:$0x2] =	wrdreg s6  }
0xac: {  	[dreg:$0x3] =	wrdreg s7  }
0xad: {  	[dreg:$0x4] =	wrdreg $0xC0  }
0xae: {  	_ =	task [dreg:s10], $0x5FFFF  }
0xaf: {  	[dreg:$0x1] =	wrdreg $0xFFFFFFFF  }
0xb0: {  	[dreg:$0x0] =	wrdreg $0x60  }
0xb1: {  	[dreg:$0x2] =	wrdreg s2  }
0xb2: {  	[dreg:$0x3] =	wrdreg s19  }
0xb3: {  	[dreg:$0x4] =	wrdreg s4  }
0xb4: {  	[dreg:$0x5] =	wrdreg s5  }
0xb5: {  	[dreg:$0x6] =	wrdreg $0x9  }
0xb6: {  	_ =	task.clear_ibuf [dreg:s10], $0x7FFFF;
	_ =	strace $0x90000046  }
0xb7: {  	s29 =	simm.s32 $0x9;
	_ =	strace $0x80000048  }
0xb8: {  	_ =	swait.ge [sflag:s29], $0x1  }
0xb9: {  	[sflag:s29] =	ssyncadd.s32 $0xFFFFFFFF  }
0xba: {  	_ =	strace $0x90000048  }
0xbb: {  	_ =	sfence  }
0xbc: {  	s30 =	sld [smem:$0x0];
	_ =	sdelay $0x2  }
0xbd: {  	s31 =	sshll.u32 s1, $0xD;
	s1 =	sshrl.u32 s1, $0x2  }
0xbe: {  	s3 =	sand.u32 $0x4000, s31;
	s1 =	sadd.s32 s1, s30  }
0xbf: {  	s0 =	sor.u32 s3, s0;
	s1 =	sshll.u32 s1, $0x11  }
0xc0: {  	s0 =	sor.u32 s1, s0  }
0xc1: {  	s0 =	sadd.s32 $0x8F2B, s0  }
0xc2: {  	[sflag:s0] =	ssyncadd.remote.s32 $0x1  }
0xc3: {  	_ =	sfence.sel $0xFFFF  }
0xc4: {  	[dreg:$0x0] =	wrdreg $0xFFFFFFFF;
	(pc) =	sbr.abs _section_cstart, $3  }
0xc5: {  	[dreg:$0x1] =	wrdreg $0xFFFFFFFF  }
0xc6: {  	_ =	task.clear_ibuf [dreg:s10], $0x2FFFF;
	_ =	strace $0x9FFFFFFF  }
0xc7: {  	(tm) =	ssettm $0x7FFFFFFF  }
tec
execute0_lowered:
.L_overlay_start_1:
0x0: {  	(tag) =	ssettag $0x1  }
0x1: {  	s1 =	rddreg [dreg:$0x0]  }
0x2: {  	s2 =	rddreg [dreg:$0x1]  }
0x3: {  	s3 =	rddreg [dreg:$0x2]  }
0x4: {  	s4 =	rddreg [dreg:$0x3]  }
0x5: {  	s6 =	srdreg.scid;
	s0 =	rddreg [dreg:$0x4];
	s5 =	simm.s32 $0x0  }
0x6: {  	s11 =	simm.s32 $0x900;
	s12 =	simm.s32 $0x4;
	s13 =	simm.s32 $0x80  }
0x7: {  	s14 =	simm.s32 $0x400;
	s15 =	simm.s32 $0x300;
	s16 =	simm.s32 $0x1  }
0x8: {  	s17 =	simm.s32 $0x2;
	s18 =	simm.s32 $0xB00;
	s8 =	sand.u32 $0x1, s6  }
0x9: {  	v0 =	vlaneseq.u32;
	v1 =	vimm.s32 $0x102;
	s19 =	simm.s32 $0x3;
	s20 =	simm.s32 $0x0;
	s7 =	ssub.s32 $0x2, s8  }
0xa: {  	[smem:$0x7FF] =	sst s5;
	s6 =	stileid.u32;
	v0 =	vmul.u32 $0x3, v0;
	s9 =	sshrl.u32 s7, $0x1  }
0xb: {  	v2 =	vimm.s32 $0x0;
	_ =	strace $0x80000047;
	s10 =	ssub.s32 s7, s9;
	s7 =	smul.u32 $0x1800, s6  }
0xc: {  	v3 =	vimm.s32 $0x2;
	s8 =	sshll.u32 s8, $0x9;
	v4 =	vadd.s32 $0x1, v0;
	v5 =	vadd.s32 $0x2, v0;
	s9 =	smul.u32 $0x3000, s6;
	s10 =	smax.u32 s10, $0x1  }
.LBB2_1:
0xd: {  	[tilespmem:s11], [sflag:$0x4] =	stream.linear.gather [hbm4b:s3+s5], $0x200, $0x38;
	[tilespmem:$0x1100] =	vst v63  }
0xe: {  	_ =	swait.ge [sflag:s12], $0x200  }
0xf: {  	[sflag:s12] =	ssyncset.done $0x0  }
0x10: {  	s21 =	simm.s32 $0x0;
	[sflag:s12] =	ssyncadd.s32 $0xFFFFFE00  }
.LBB2_2:
0x11: {  	s22 =	sshll.u32 s21, $0x7  }
0x12: {  	s22 =	sadd.s32 s8, s22  }
0x13: {  	s23 =	sadd.s32 s7, s22  }
0x14: {  	s22 =	sadd.s32 s9, s22;
	s23 =	sshrl.u32 s23, $0x3  }
0x15: {  	p0 =	seq.s32 s21, $0x0;
	s22 =	sshrl.u32 s22, $0x3;
	s23 =	sadd.s32 s1, s23  }
0x16: {  	[tilespmem:s5], [sflag:$0x1] =	stream.strided.gather [hbm4b:s23+s13], $0x300, s14, s13, $0x38;
	[tilespmem:$0x1100] =	vst v63  }
0x17: {  	s26 =	sadd.s32 s2, s22;
	s23 =	simm.s32 @!p0 $0x3  }
0x18: {  	[tilespmem:s15], [sflag:$0x2] =	stream.strided.gather [hbm4b:s26+s13], $0x600, s14, s13, $0x38;
	[tilespmem:$0x1100] =	vst v63  }
0x19: {  	_ =	swait.ge @!p0 [sflag:s23], $0x600  }
0x1a: {  	[sflag:s23] =	ssyncset.done @!p0 $0x0  }
0x1b: {  	[sflag:s23] =	ssyncadd.s32 @!p0 $0xFFFFFA00  }
0x1c: {  	_ =	swait.ge [sflag:s16], $0x300  }
0x1d: {  	[sflag:s16] =	ssyncset.done $0x0  }
0x1e: {  	[sflag:s16] =	ssyncadd.s32 $0xFFFFFD00  }
0x1f: {  	_ =	swait.ge [sflag:s17], $0x600  }
0x20: {  	[sflag:s17] =	ssyncset.done $0x0  }
0x21: {  	[sflag:s17] =	ssyncadd.s32 $0xFFFFFA00  }
0x22: {  	s28 =	simm.s32 $0x900;
	v6 =	vld.idx.msk [tilespmem:v1+s5+$0x0], $0xffff  }
0x23: {  	v15 =	vld [tilespmem:s28+$0x0];
	_ =	sdelay $0x4  }
0x24: {  	v9 =	vsub.f32 v15, v6;
	_ =	sdelay $0x1  }
0x25: {  	vm0 =	vgt.f32 v9, $9.999999930e-09  }
0x26: {  	v6 =	vsel vm0, $0x100, v2  }
0x27: {  	v7 =	vor.u32 $0x82, v6;
	_ =	sdelay $0x4  }
0x28: {  	v7 =	vld.idx.msk [tilespmem:v7+s5+$0x0], $0xffff;
	_ =	sdelay $0x4  }
0x29: {  	v7 =	vsub.f32 v15, v7;
	_ =	sdelay $0x1  }
0x2a: {  	v8 =	vor.u32 $0x80, v6;
	vm0 =	vgt.f32 v7, $9.999999930e-09  }
0x2b: {  	v6 =	vsel vm0, v8, v6  }
0x2c: {  	v7 =	vor.u32 $0x42, v6;
	_ =	sdelay $0x4  }
0x2d: {  	v7 =	vld.idx.msk [tilespmem:v7+s5+$0x0], $0xffff;
	_ =	sdelay $0x4  }
0x2e: {  	v7 =	vsub.f32 v15, v7;
	_ =	sdelay $0x1  }
0x2f: {  	v8 =	vor.u32 $0x40, v6;
	vm0 =	vgt.f32 v7, $9.999999930e-09  }
0x30: {  	v6 =	vsel vm0, v8, v6  }
0x31: {  	v7 =	vor.u32 $0x22, v6;
	_ =	sdelay $0x4  }
0x32: {  	v7 =	vld.idx.msk [tilespmem:v7+s5+$0x0], $0xffff;
	_ =	sdelay $0x4  }
0x33: {  	v7 =	vsub.f32 v15, v7;
	_ =	sdelay $0x1  }
0x34: {  	v8 =	vor.u32 $0x20, v6;
	vm0 =	vgt.f32 v7, $9.999999930e-09  }
0x35: {  	v6 =	vsel vm0, v8, v6  }
0x36: {  	v7 =	vadd.s32 $0x12, v6;
	_ =	sdelay $0x4  }
0x37: {  	s29 =	simm.s32 $0x910;
	v7 =	vld.idx.msk [tilespmem:v7+s5+$0x0], $0xffff  }
0x38: {  	v17 =	vld [tilespmem:s29+$0x0]  }
0x39: {  	v8 =	vld.idx.msk [tilespmem:v1+s5+$0x0], $0xffff;
	_ =	sdelay $0x2  }
0x3a: {  	v7 =	vsub.f32 v15, v7;
	_ =	sdelay $0x1  }
0x3b: {  	v10 =	vadd.s32 $0x10, v6;
	v8 =	vsub.f32 v17, v8;
	vm0 =	vgt.f32 v7, $9.999999930e-09  }
0x3c: {  	v6 =	vsel vm0, v10, v6  }
0x3d: {  	vm0 =	vgt.f32 v8, $9.999999930e-09;
	v7 =	vadd.s32 $0xA, v6  }
0x3e: {  	v10 =	vsel vm0, $0x100, v2  }
0x3f: {  	v11 =	vor.u32 $0x82, v10;
	_ =	sdelay $0x2  }
0x40: {  	v7 =	vld.idx.msk [tilespmem:v7+s5+$0x0], $0xffff;
	_ =	sdelay $0x1  }
0x41: {  	v11 =	vld.idx.msk [tilespmem:v11+s5+$0x0], $0xffff;
	_ =	sdelay $0x2  }
0x42: {  	v7 =	vsub.f32 v15, v7;
	_ =	sdelay $0x1  }
0x43: {  	v12 =	vadd.s32 $0x8, v6;
	vm0 =	vgt.f32 v7, $9.999999930e-09;
	v7 =	vsub.f32 v17, v11  }
0x44: {  	v6 =	vsel vm0, v12, v6  }
0x45: {  	v12 =	vor.u32 $0x80, v10;
	v11 =	vadd.s32 $0x6, v6;
	vm0 =	vgt.f32 v7, $9.999999930e-09  }
0x46: {  	v7 =	vsel vm0, v12, v10  }
0x47: {  	v10 =	vor.u32 $0x42, v7;
	_ =	sdelay $0x2  }
0x48: {  	v11 =	vld.idx.msk [tilespmem:v11+s5+$0x0], $0xffff;
	_ =	sdelay $0x1  }
0x49: {  	v10 =	vld.idx.msk [tilespmem:v10+s5+$0x0], $0xffff;
	_ =	sdelay $0x2  }
0x4a: {  	v11 =	vsub.f32 v15, v11;
	_ =	sdelay $0x1  }
0x4b: {  	v12 =	vadd.s32 $0x4, v6;
	vm0 =	vgt.f32 v11, $9.999999930e-09;
	v10 =	vsub.f32 v17, v10  }
0x4c: {  	v6 =	vsel vm0, v12, v6  }
0x4d: {  	v12 =	vor.u32 $0x40, v7;
	v11 =	vadd.s32 $0x4, v6;
	vm0 =	vgt.f32 v10, $9.999999930e-09  }
0x4e: {  	v7 =	vsel vm0, v12, v7  }
0x4f: {  	v10 =	vor.u32 $0x22, v7;
	_ =	sdelay $0x2  }
0x50: {  	v11 =	vld.idx.msk [tilespmem:v11+s5+$0x0], $0xffff;
	_ =	sdelay $0x1  }
0x51: {  	v10 =	vld.idx.msk [tilespmem:v10+s5+$0x0], $0xffff;
	_ =	sdelay $0x2  }
0x52: {  	v11 =	vsub.f32 v15, v11;
	_ =	sdelay $0x1  }
0x53: {  	v12 =	vadd.s32 $0x2, v6;
	vm0 =	vgt.f32 v11, $9.999999930e-09;
	v10 =	vsub.f32 v17, v10  }
0x54: {  	v6 =	vsel vm0, v12, v6  }
0x55: {  	v12 =	vor.u32 $0x20, v7;
	v11 =	vadd.s32 $0x3, v6;
	vm0 =	vgt.f32 v10, $9.999999930e-09  }
0x56: {  	v7 =	vsel vm0, v12, v7  }
0x57: {  	v10 =	vadd.s32 $0x12, v7;
	_ =	sdelay $0x2  }
0x58: {  	v11 =	vld.idx.msk [tilespmem:v11+s5+$0x0], $0xffff;
	_ =	sdelay $0x1  }
0x59: {  	v10 =	vld.idx.msk [tilespmem:v10+s5+$0x0], $0xffff;
	_ =	sdelay $0x1  }
0x5a: {  	s30 =	simm.s32 $0x920  }
0x5b: {  	v16 =	vld [tilespmem:s30+$0x0];
	v11 =	vsub.f32 v15, v11  }
0x5c: {  	v12 =	vld.idx.msk [tilespmem:v1+s5+$0x0], $0xffff  }
0x5d: {  	v10 =	vsub.f32 v17, v10;
	vm0 =	vgt.f32 v11, $9.999999930e-09  }
0x5e: {  	v11 =	vsel vm0, $0x3, v3  }
0x5f: {  	v13 =	vadd.s32 $0x10, v7;
	vm0 =	vgt.f32 v10, $9.999999930e-09;
	v10 =	vadd.s32 v6, v11  }
0x60: {  	v11 =	vsel vm0, v13, v7  }
0x61: {  	v6 =	vsub.f32 v16, v12;
	v7 =	vadd.s32 $0xA, v11;
	_ =	sdelay $0x1  }
0x62: {  	vm0 =	vgt.f32 v6, $9.999999930e-09  }
0x63: {  	v12 =	vsel vm0, $0x100, v2;
	v10 =	vld.idx.msk [tilespmem:v10+s5+$0x0], $0xffff  }
0x64: {  	v13 =	vor.u32 $0x82, v12  }
0x65: {  	v14 =	vld.idx.msk [tilespmem:v7+s5+$0x0], $0xffff;
	_ =	sdelay $0x2  }
0x66: {  	v7 =	vsub.f32 v15, v10  }
0x67: {  	v10 =	vld.idx.msk [tilespmem:v13+s5+$0x0], $0xffff  }
0x68: {  	v13 =	vsub.f32 v17, v14;
	vm0 =	vgt.f32 v9, v7  }
0x69: {  	v9 =	vsel vm0, $0x100, v2  }
0x6a: {  	v14 =	vadd.s32 $0x8, v11;
	vm0 =	vgt.f32 v13, $9.999999930e-09;
	v13 =	vor.u32 $0x82, v9  }
0x6b: {  	v11 =	vsel vm0, v14, v11  }
0x6c: {  	v10 =	vsub.f32 v16, v10;
	v14 =	vadd.s32 $0x6, v11;
	_ =	sdelay $0x1  }
0x6d: {  	v18 =	vor.u32 $0x80, v12;
	vm0 =	vgt.f32 v10, $9.999999930e-09  }
0x6e: {  	v10 =	vsel vm0, v18, v12;
	v12 =	vld.idx.msk [tilespmem:v13+s5+$0x0], $0xffff;
	_ =	sdelay $0x1  }
0x6f: {  	v13 =	vor.u32 $0x42, v10;
	v14 =	vld.idx.msk [tilespmem:v14+s5+$0x0], $0xffff;
	_ =	sdelay $0x2  }
0x70: {  	v12 =	vsub.f32 v15, v12  }
0x71: {  	v19 =	vld.idx.msk [tilespmem:v1+s5+$0x0], $0xffff  }
0x72: {  	s31 =	simm.s32 $0x930;
	v20 =	vor.u32 $0x80, v9;
	v18 =	vld.idx.msk [tilespmem:v13+s5+$0x0], $0xffff;
	v14 =	vsub.f32 v17, v14;
	vm0 =	vgt.f32 v12, v7  }
0x73: {  	v13 =	vld [tilespmem:s31+$0x0];
	v9 =	vsel vm0, v20, v9  }
0x74: {  	v12 =	vadd.s32 $0x4, v11;
	vm0 =	vgt.f32 v14, $9.999999930e-09;
	v20 =	vor.u32 $0x42, v9  }
0x75: {  	v11 =	vsel vm0, v12, v11  }
0x76: {  	v12 =	vadd.s32 $0x4, v11  }
0x77: {  	v18 =	vsub.f32 v16, v18  }
0x78: {  	v14 =	vsub.f32 v13, v19  }
0x79: {  	v19 =	vor.u32 $0x40, v10;
	vm0 =	vgt.f32 v18, $9.999999930e-09;
	v18 =	vld.idx.msk [tilespmem:v20+s5+$0x0], $0xffff  }
0x7a: {  	v19 =	vsel vm0, v19, v10;
	vm0 =	vgt.f32 v14, $9.999999930e-09  }
0x7b: {  	v20 =	vsel vm0, $0x100, v2;
	v10 =	vld.idx.msk [tilespmem:v12+s5+$0x0], $0xffff;
	v12 =	vor.u32 $0x22, v19  }
0x7c: {  	v21 =	vor.u32 $0x82, v20;
	_ =	sdelay $0x1  }
0x7d: {  	v18 =	vsub.f32 v15, v18;
	_ =	sdelay $0x1  }
0x7e: {  	v22 =	vor.u32 $0x40, v9;
	v10 =	vsub.f32 v17, v10;
	v12 =	vld.idx.msk [tilespmem:v12+s5+$0x0], $0xffff;
	vm0 =	vgt.f32 v18, v7  }
0x7f: {  	v18 =	vld.idx.msk [tilespmem:v21+s5+$0x0], $0xffff;
	v9 =	vsel vm0, v22, v9  }
0x80: {  	s24 =	simm.s32 $0x940;
	v21 =	vadd.s32 $0x2, v11;
	vm0 =	vgt.f32 v10, $9.999999930e-09;
	v22 =	vor.u32 $0x22, v9  }
0x81: {  	v10 =	vld [tilespmem:s24+$0x0];
	v11 =	vsel vm0, v21, v11  }
0x82: {  	v21 =	vld.idx.msk [tilespmem:v1+s5+$0x0], $0xffff;
	v23 =	vadd.s32 $0x3, v11  }
0x83: {  	v12 =	vsub.f32 v16, v12  }
0x84: {  	v18 =	vsub.f32 v13, v18  }
0x85: {  	v24 =	vor.u32 $0x20, v19;
	vm0 =	vgt.f32 v12, $9.999999930e-09;
	v12 =	vld.idx.msk [tilespmem:v22+s5+$0x0], $0xffff  }
0x86: {  	v22 =	vor.u32 $0x80, v20;
	v19 =	vsel vm0, v24, v19;
	vm0 =	vgt.f32 v18, $9.999999930e-09  }
0x87: {  	v18 =	vsub.f32 v10, v21;
	v24 =	vadd.s32 $0x12, v19;
	v20 =	vsel vm0, v22, v20;
	v21 =	vld.idx.msk [tilespmem:v23+s5+$0x0], $0xffff  }
0x88: {  	v22 =	vor.u32 $0x42, v20  }
0x89: {  	vm0 =	vgt.f32 v18, $9.999999930e-09  }
0x8a: {  	v23 =	vsel vm0, $0x100, v2;
	v12 =	vsub.f32 v15, v12  }
0x8b: {  	v25 =	vor.u32 $0x82, v23  }
0x8c: {  	v26 =	vor.u32 $0x20, v9;
	v24 =	vld.idx.msk [tilespmem:v24+s5+$0x0], $0xffff;
	vm0 =	vgt.f32 v12, v7;
	v12 =	vsub.f32 v17, v21  }
0x8d: {  	v21 =	vld.idx.msk [tilespmem:v22+s5+$0x0], $0xffff;
	v9 =	vsel vm0, v26, v9  }
0x8e: {  	v22 =	vadd.s32 $0x12, v9;
	vm0 =	vgt.f32 v12, $9.999999930e-09  }
0x8f: {  	v12 =	vsel vm0, $0x3, v3  }
0x90: {  	v25 =	vld.idx.msk [tilespmem:v25+s5+$0x0], $0xffff;
	v11 =	vadd.s32 v11, v12  }
0x91: {  	v12 =	vsub.f32 v16, v24  }
0x92: {  	v21 =	vsub.f32 v13, v21  }
0x93: {  	v24 =	vadd.s32 $0x10, v19;
	vm0 =	vgt.f32 v12, $9.999999930e-09;
	v12 =	vld.idx.msk [tilespmem:v22+s5+$0x0], $0xffff  }
0x94: {  	v22 =	vor.u32 $0x40, v20;
	v19 =	vsel vm0, v24, v19;
	vm0 =	vgt.f32 v21, $9.999999930e-09  }
0x95: {  	v21 =	vadd.s32 $0xA, v19;
	v20 =	vsel vm0, v22, v20;
	v22 =	vsub.f32 v10, v25;
	v11 =	vld.idx.msk [tilespmem:v11+s5+$0x0], $0xffff  }
0x96: {  	v24 =	vor.u32 $0x22, v20  }
0x97: {  	v25 =	vor.u32 $0x80, v23;
	vm0 =	vgt.f32 v22, $9.999999930e-09  }
0x98: {  	v23 =	vsel vm0, v25, v23;
	v12 =	vsub.f32 v15, v12  }
0x99: {  	v25 =	vor.u32 $0x42, v23  }
0x9a: {  	v26 =	vadd.s32 $0x10, v9;
	v21 =	vld.idx.msk [tilespmem:v21+s5+$0x0], $0xffff;
	vm0 =	vgt.f32 v12, v7;
	v22 =	vsub.f32 v17, v11  }
0x9b: {  	v11 =	vld.idx.msk [tilespmem:v24+s5+$0x0], $0xffff;
	v9 =	vsel vm0, v26, v9  }
0x9c: {  	v12 =	vadd.s32 $0xA, v9;
	vm0 =	vgt.f32 v8, v22  }
0x9d: {  	v8 =	vsel vm0, $0x100, v2  }
0x9e: {  	v24 =	vld.idx.msk [tilespmem:v25+s5+$0x0], $0xffff;
	v25 =	vor.u32 $0x82, v8  }
0x9f: {  	v21 =	vsub.f32 v16, v21  }
0xa0: {  	v11 =	vsub.f32 v13, v11  }
0xa1: {  	v26 =	vadd.s32 $0x8, v19;
	vm0 =	vgt.f32 v21, $9.999999930e-09;
	v12 =	vld.idx.msk [tilespmem:v12+s5+$0x0], $0xffff  }
0xa2: {  	v21 =	vor.u32 $0x20, v20;
	v19 =	vsel vm0, v26, v19;
	vm0 =	vgt.f32 v11, $9.999999930e-09  }
0xa3: {  	v11 =	vadd.s32 $0x6, v19;
	v20 =	vsel vm0, v21, v20;
	v21 =	vsub.f32 v10, v24;
	v24 =	vld.idx.msk [tilespmem:v25+s5+$0x0], $0xffff  }
0xa4: {  	v25 =	vadd.s32 $0x12, v20  }
0xa5: {  	v26 =	vor.u32 $0x40, v23;
	vm0 =	vgt.f32 v21, $9.999999930e-09  }
0xa6: {  	v21 =	vsel vm0, v26, v23;
	v12 =	vsub.f32 v15, v12  }
0xa7: {  	v23 =	vor.u32 $0x22, v21  }
0xa8: {  	v26 =	vadd.s32 $0x8, v9;
	v11 =	vld.idx.msk [tilespmem:v11+s5+$0x0], $0xffff;
	vm0 =	vgt.f32 v12, v7;
	v12 =	vsub.f32 v17, v24  }
0xa9: {  	v24 =	vld.idx.msk [tilespmem:v25+s5+$0x0], $0xffff;
	v9 =	vsel vm0, v26, v9  }
0xaa: {  	v26 =	vor.u32 $0x80, v8;
	v25 =	vadd.s32 $0x6, v9;
	vm0 =	vgt.f32 v12, v22  }
0xab: {  	v8 =	vsel vm0, v26, v8  }
0xac: {  	v12 =	vld.idx.msk [tilespmem:v23+s5+$0x0], $0xffff;
	v23 =	vor.u32 $0x42, v8  }
0xad: {  	v11 =	vsub.f32 v16, v11  }
0xae: {  	v24 =	vsub.f32 v13, v24  }
0xaf: {  	v26 =	vadd.s32 $0x4, v19;
	vm0 =	vgt.f32 v11, $9.999999930e-09;
	v11 =	vld.idx.msk [tilespmem:v25+s5+$0x0], $0xffff  }
0xb0: {  	v25 =	vadd.s32 $0x10, v20;
	v19 =	vsel vm0, v26, v19;
	vm0 =	vgt.f32 v24, $9.999999930e-09  }
0xb1: {  	v24 =	vadd.s32 $0x4, v19;
	v20 =	vsel vm0, v25, v20;
	v12 =	vsub.f32 v10, v12;
	v23 =	vld.idx.msk [tilespmem:v23+s5+$0x0], $0xffff  }
0xb2: {  	v25 =	vadd.s32 $0xA, v20  }
0xb3: {  	v26 =	vor.u32 $0x20, v21;
	vm0 =	vgt.f32 v12, $9.999999930e-09  }
0xb4: {  	v21 =	vsel vm0, v26, v21;
	v11 =	vsub.f32 v15, v11  }
0xb5: {  	v12 =	vadd.s32 $0x12, v21  }
0xb6: {  	v26 =	vadd.s32 $0x4, v9;
	v24 =	vld.idx.msk [tilespmem:v24+s5+$0x0], $0xffff;
	vm0 =	vgt.f32 v11, v7;
	v11 =	vsub.f32 v17, v23  }
0xb7: {  	v23 =	vld.idx.msk [tilespmem:v25+s5+$0x0], $0xffff;
	v9 =	vsel vm0, v26, v9  }
0xb8: {  	v26 =	vor.u32 $0x40, v8;
	v25 =	vadd.s32 $0x4, v9;
	vm0 =	vgt.f32 v11, v22  }
0xb9: {  	v8 =	vsel vm0, v26, v8  }
0xba: {  	v11 =	vld.idx.msk [tilespmem:v12+s5+$0x0], $0xffff;
	v26 =	vor.u32 $0x22, v8  }
0xbb: {  	s25 =	simm.s32 $0x950;
	v27 =	vld.idx.msk [tilespmem:v1+s5+$0x0], $0xffff  }
0xbc: {  	v12 =	vld [tilespmem:s25+$0x0];
	v24 =	vsub.f32 v16, v24;
	v23 =	vsub.f32 v13, v23  }
0xbd: {  	v28 =	vadd.s32 $0x2, v19;
	v25 =	vld.idx.msk [tilespmem:v25+s5+$0x0], $0xffff  }
0xbe: {  	vm0 =	vgt.f32 v24, $9.999999930e-09;
	v24 =	vadd.s32 $0x8, v20;
	vm1 =	vgt.f32 v23, $9.999999930e-09  }
0xbf: {  	v23 =	vsel vm0, v28, v19;
	v20 =	vsel vm1, v24, v20;
	v11 =	vsub.f32 v10, v11;
	v24 =	vld.idx.msk [tilespmem:v26+s5+$0x0], $0xffff  }
0xc0: {  	v29 =	vadd.s32 $0x10, v21;
	v26 =	vadd.s32 $0x3, v23  }
0xc1: {  	v19 =	vsub.f32 v12, v27;
	v28 =	vadd.s32 $0x6, v20;
	vm0 =	vgt.f32 v11, $9.999999930e-09  }
0xc2: {  	v11 =	vsel vm0, v29, v21;
	v21 =	vsub.f32 v15, v25  }
0xc3: {  	v27 =	vadd.s32 $0x2, v9;
	vm0 =	vgt.f32 v19, $9.999999930e-09;
	v25 =	vadd.s32 $0xA, v11  }
0xc4: {  	vm1 =	vgt.f32 v21, v7;
	v21 =	vsub.f32 v17, v24;
	v24 =	vsel vm0, $0x100, v2  }
0xc5: {  	v26 =	vld.idx.msk [tilespmem:v26+s5+$0x0], $0xffff;
	v9 =	vsel vm1, v27, v9;
	v27 =	vor.u32 $0x82, v24  }
0xc6: {  	v30 =	vor.u32 $0x20, v8;
	v28 =	vld.idx.msk [tilespmem:v28+s5+$0x0], $0xffff;
	v29 =	vadd.s32 $0x3, v9;
	vm0 =	vgt.f32 v21, v22  }
0xc7: {  	v8 =	vsel vm0, v30, v8  }
0xc8: {  	v21 =	vadd.s32 $0x12, v8  }
0xc9: {  	v25 =	vld.idx.msk [tilespmem:v25+s5+$0x0], $0xffff  }
0xca: {  	v26 =	vsub.f32 v16, v26;
	v27 =	vld.idx.msk [tilespmem:v27+s5+$0x0], $0xffff  }
0xcb: {  	v28 =	vsub.f32 v13, v28;
	v29 =	vld.idx.msk [tilespmem:v29+s5+$0x0], $0xffff  }
0xcc: {  	vm0 =	vgt.f32 v26, $9.999999930e-09  }
0xcd: {  	v26 =	vadd.s32 $0x4, v20;
	vm1 =	vgt.f32 v28, $9.999999930e-09;
	v28 =	vsel vm0, $0x3, v3;
	v21 =	vld.idx.msk [tilespmem:v21+s5+$0x0], $0xffff  }
0xce: {  	v26 =	vsel vm1, v26, v20;
	v20 =	vsub.f32 v10, v25;
	v23 =	vadd.s32 v23, v28  }
0xcf: {  	v28 =	vadd.s32 $0x8, v11;
	v27 =	vsub.f32 v12, v27  }
0xd0: {  	v25 =	vadd.s32 $0x4, v26;
	vm0 =	vgt.f32 v20, $9.999999930e-09;
	v20 =	vsub.f32 v15, v29  }
0xd1: {  	v28 =	vsel vm0, v28, v11;
	v11 =	vor.u32 $0x80, v24;
	vm0 =	vgt.f32 v27, $9.999999930e-09  }
0xd2: {  	vm1 =	vgt.f32 v20, v7;
	v24 =	vsel vm0, v11, v24;
	v7 =	vsub.f32 v17, v21  }
0xd3: {  	v21 =	vadd.s32 $0x6, v28;
	v23 =	vld.idx.msk [tilespmem:v23+s5+$0x0], $0xffff;
	v11 =	vsel vm1, $0x1, v2;
	v20 =	vor.u32 $0x42, v24  }
0xd4: {  	v9 =	vadd.s32 v11, v9;
	v11 =	vadd.s32 $0x10, v8;
	vm0 =	vgt.f32 v7, v22  }
0xd5: {  	s24 =	simm.s32 $0x10;
	v25 =	vld.idx.msk [tilespmem:v25+s5+$0x0], $0xffff;
	v29 =	vadd.s32 $0x3, v9;
	v27 =	vsel vm0, v11, v8  }
0xd6: {  	s28 =	simm.s32 $0x20;
	v8 =	vmov s24;
	v30 =	vadd.s32 $0xA, v27  }
0xd7: {  	v33 =	vmov s28;
	v32 =	vadd.s32 $0x4, v9;
	v8 =	vmul.u32 $0x3, v8  }
0xd8: {  	s26 =	simm.s32 $0x0;
	s29 =	simm.s32 $0x30;
	v55 =	vadd.s32 $0x2, v26;
	v58 =	vadd.s32 $0x4, v28;
	v34 =	vld.idx.msk [tilespmem:v20+s5+$0x0], $0xffff;
	v20 =	vsub.f32 v16, v23  }
0xd9: {  	s30 =	simm.s32 $0x40;
	v7 =	vmov s26;
	v21 =	vld.idx.msk [tilespmem:v21+s5+$0x0], $0xffff;
	v11 =	vbroadcast v8, $0x0;
	v8 =	vmov s29  }
0xda: {  	v23 =	vmov s30;
	v25 =	vsub.f32 v13, v25;
	v54 =	vld.idx.msk [tilespmem:v29+s5+$0x0], $0xffff;
	vm0 =	vgt.f32 v6, v20  }
0xdb: {  	v23 =	vmul.u32 $0x3, v23;
	v6 =	vmul.u32 $0x3, v8;
	v35 =	vsel vm0, $0x100, v2;
	v30 =	vld.idx.msk [tilespmem:v30+s5+$0x0], $0xffff  }
0xdc: {  	v32 =	vld.idx.msk [tilespmem:v32+s5+$0x0], $0xffff;
	vm0 =	vgt.f32 v25, $9.999999930e-09;
	v25 =	vadd.s32 $0x2, v9;
	v36 =	vor.u32 $0x82, v35  }
0xdd: {  	v8 =	vbroadcast v6, $0x0;
	v6 =	vbroadcast v23, $0x0;
	v23 =	vsub.f32 v12, v34  }
0xde: {  	v38 =	vor.u32 $0x40, v24;
	v7 =	vmul.u32 $0x3, v7;
	v37 =	vadd.s32 $0x1, v9  }
0xdf: {  	v41 =	vadd.s32 $0x5, v9;
	v39 =	vadd.s32 $0x8, v27;
	vm1 =	vgt.f32 v23, $9.999999930e-09  }
0xe0: {  	v21 =	vsub.f32 v10, v21;
	v38 =	vsel vm1, v38, v24;
	v24 =	vsub.f32 v17, v30  }
0xe1: {  	v23 =	vsub.f32 v15, v54;
	v30 =	vsub.f32 v32, v15;
	v56 =	vor.u32 $0x22, v38;
	v57 =	vld.idx.msk [tilespmem:v36+s5+$0x0], $0xffff  }
0xe2: {  	v31 =	vbroadcast v7, $0x0;
	v7 =	vmul.u32 $0x3, v33;
	v25 =	vld.idx.msk [tilespmem:v25+s5+$0x0], $0xffff;
	vm1 =	vgt.f32 v24, v22  }
0xe3: {  	vm2 =	vgt.f32 v21, $9.999999930e-09;
	v21 =	vadd.f32 v30, v23;
	v39 =	vsel vm1, v39, v27  }
0xe4: {  	v24 =	vsel vm0, v55, v26;
	v26 =	vsel vm2, v58, v28;
	v28 =	vadd.s32 $0x6, v39  }
0xe5: {  	s31 =	simm.s32 $0x50;
	v7 =	vbroadcast v7, $0x0;
	v59 =	vld.idx.msk [tilespmem:v37+s5+$0x0], $0xffff;
	v34 =	vadd.s32 $0x3, v24;
	v60 =	vadd.s32 $0x4, v26  }
0xe6: {  	v27 =	vmov s31;
	vm0 =	veq.f32 v21, $0.0e+00;
	v40 =	vld.idx.msk [tilespmem:v56+s5+$0x0], $0xffff;
	v61 =	vsub.f32 v16, v57  }
0xe7: {  	v62 =	vmul.u32 $0x3, v27;
	v21 =	vsel vm0, $0x3F800000, v21;
	v27 =	vsub.f32 v15, v25  }
0xe8: {  	(erf) = vrcp.f32 v21;
	v21 =	vor.u32 $0x80, v35;
	vm1 =	vgt.f32 v61, v20  }
0xe9: {  	v32 =	vmul.u32 $0x3, v29;
	v25 =	vadd.s32 $0x6, v9;
	v21 =	vsel vm1, v21, v35;
	v9 =	vld.idx.msk [tilespmem:v28+s5+$0x0], $0xffff  }
0xea: {  	v50 =	vld.idx.msk [tilespmem:v41+s5+$0x0], $0xffff;
	v29 =	vsub.f32 v15, v59;
	v49 =	vadd.f32 v30, v27;
	v48 =	vor.u32 $0x42, v21  }
0xeb: {  	v45 =	vor.u32 $0x20, v38;
	v42 =	vadd.s32 $0xFFFFFFF7, v32;
	v63 =	vld.idx.msk [tilespmem:v60+s5+$0x0], $0xffff;
	v40 =	vsub.f32 v12, v40  }
0xec: {  	v43 =	vadd.s32 $0xFFFFFFFA, v32;
	v44 =	vadd.f32 v30, v29;
	v34 =	vld.idx.msk [tilespmem:v34+s5+$0x0], $0xffff;
	vm2 =	veq.f32 v49, $0.0e+00  }
0xed: {  	v55 =	vadd.s32 $0x2, v26;
	v37 =	vsel vm2, $0x3F800000, v49;
	vm1 =	vgt.f32 v40, $9.999999930e-09  }
0xee: {  	v54 =	vld.idx.msk [tilespmem:v25+s5+$0x0], $0xffff;
	(erf) = vrcp.f32 v37;
	v38 =	vsel vm1, v45, v38;
	v51 =	vsub.f32 v17, v9  }
0xef: {  	v28 =	vadd.s32 $0xFFFFFFFD, v32;
	v25 =	vadd.s32 $0x4, v39;
	v53 =	vadd.s32 $0x12, v38;
	v36 =	vld.idx.msk [tilespmem:v48+s5+$0x0], $0xffff  }
0xf0: {  	v52 =	vsub.f32 v10, v63;
	v40 =	vsub.f32 v50, v15;
	vm3 =	vgt.f32 v51, v22  }
0xf1: {  	v34 =	vsub.f32 v13, v34;
	v9 =	vbroadcast v62, $0x0;
	v39 =	vsel vm3, v25, v39  }
0xf2: {  	vm1 =	veq.f32 v44, $0.0e+00;
	vm4 =	vgt.f32 v52, $9.999999930e-09;
	v56 =	vpop (erf);
	v57 =	vadd.s32 $0x4, v39  }
0xf3: {  	v44 =	vsel vm1, $0x3F800000, v44;
	v46 =	vadd.f32 v40, v23;
	v33 =	vsel vm0, $0x38D1B717, v56  }
0xf4: {  	v37 =	vsub.f32 v54, v15;
	v58 =	vmul.f32 v33, v30;
	v35 =	vld.idx.msk [tilespmem:v53+s5+$0x0], $0xffff;
	v36 =	vsub.f32 v16, v36  }
0xf5: {  	v15 =	vor.u32 $0x40, v21;
	v59 =	vadd.f32 v40, v27;
	(erf) = vrcp.f32 v44  }
0xf6: {  	s24 =	simm.s32 $0x60;
	v48 =	vadd.s32 $0x10, v38;
	v41 =	vadd.f32 $0.0e+00, v58;
	vm0 =	vgt.f32 v36, v20  }
0xf7: {  	v54 =	vmov s24;
	vm3 =	veq.f32 v46, $0.0e+00;
	v60 =	vpop (erf);
	v44 =	vsel vm0, v15, v21;
	v21 =	vld.idx.msk [tilespmem:v57+s5+$0x0], $0xffff  }
0xf8: {  	v25 =	vsel vm4, v55, v26;
	v41 =	vmul.f32 v41, v60;
	v15 =	vsel vm3, $0x3F800000, v46  }
0xf9: {  	v61 =	vor.u32 $0x22, v44;
	(erf) = vrcp.f32 v15;
	v35 =	vsub.f32 v12, v35  }
0xfa: {  	s23 =	simm.s32 $0x960;
	v62 =	vld.idx.msk [tilespmem:v1+s5+$0x0], $0xffff;
	v33 =	vmul.f32 v33, v23;
	v47 =	vadd.f32 v37, v23;
	v41 =	vsel vm2, $0x38D1B717, v41  }
0xfb: {  	v52 =	vadd.s32 $0x2, v39;
	v15 =	vld [tilespmem:s23+$0x0];
	v63 =	vmul.f32 v41, v30;
	vm2 =	vgt.f32 v35, $9.999999930e-09  }
0xfc: {  	vm0 =	veq.f32 v59, $0.0e+00;
	v48 =	vsel vm2, v48, v38;
	v21 =	vsub.f32 v17, v21  }
0xfd: {  	v35 =	vadd.f32 $0.0e+00, v63;
	vm2 =	veq.f32 v47, $0.0e+00;
	v38 =	vadd.s32 $0xA, v48  }
0xfe: {  	v36 =	vsel vm0, $0x3F800000, v59;
	v49 =	vpop (erf);
	v46 =	vld.idx.msk [tilespmem:v61+s5+$0x0], $0xffff;
	v47 =	vsel vm2, $0x3F800000, v47;
	vm4 =	vgt.f32 v21, v22  }
0xff: {  	v35 =	vmul.f32 v35, v49;
	(erf) = vrcp.f32 v47;
	v45 =	vsel vm4, v52, v39  }
0x100: {  	v21 =	vsub.f32 v15, v62;
	(erf) = vrcp.f32 v36;
	v53 =	vadd.s32 $0x3, v45  }
0x101: {  	v42 =	vld.idx.msk [tilespmem:v42+s15+$0x0], $0xffff;
	v26 =	vadd.s32 $0x3, v25;
	v41 =	vmul.f32 v41, v27;
	v35 =	vsel vm1, $0x38D1B717, v35  }
0x102: {  	v59 =	vor.u32 $0x20, v44;
	vm1 =	vgt.f32 v21, $9.999999930e-09;
	v30 =	vmul.f32 v35, v30;
	v55 =	vpop (erf);
	v56 =	vld.idx.msk [tilespmem:v38+s5+$0x0], $0xffff  }
0x103: {  	v57 =	vsub.f32 v16, v46;
	v46 =	vsel vm1, $0x100, v2;
	v33 =	vmul.f32 v33, v55  }
0x104: {  	v61 =	vadd.s32 $0x8, v48;
	v38 =	vadd.f32 $0.0e+00, v30;
	v58 =	vor.u32 $0x82, v46  }
0x105: {  	v39 =	vmul.u32 $0x3, v54;
	vm1 =	vgt.f32 v57, v20;
	v33 =	vsel vm3, $0x38D1B717, v33;
	v30 =	vld.idx.msk [tilespmem:v53+s5+$0x0], $0xffff  }
0x106: {  	v42 =	vmul.f32 v38, v42;
	v44 =	vsel vm1, v59, v44;
	v60 =	vmul.f32 v33, v40  }
0x107: {  	v33 =	vmul.f32 v33, v23;
	v47 =	vadd.s32 $0x12, v44;
	v49 =	vsub.f32 v12, v56  }
0x108: {  	v29 =	vmul.f32 v35, v29;
	v62 =	vadd.f32 $0.0e+00, v42;
	v50 =	vpop (erf);
	v36 =	vadd.f32 v41, v60  }
0x109: {  	v41 =	vadd.s32 v0, v31;
	v33 =	vmul.f32 v33, v50;
	v35 =	vld.idx.msk [tilespmem:v58+s5+$0x0], $0xffff;
	v63 =	vpop (erf);
	vm1 =	vgt.f32 v49, $9.999999930e-09  }
0x10a: {  	v36 =	vmul.f32 v36, v63;
	v48 =	vsel vm1, v61, v48;
	v30 =	vsub.f32 v17, v30  }
0x10b: {  	v33 =	vsel vm2, $0x38D1B717, v33;
	vm1 =	vgt.f32 v34, $9.999999930e-09;
	v50 =	vadd.s32 $0x6, v48  }
0x10c: {  	v52 =	vld.idx.msk [tilespmem:v47+s5+$0x0], $0xffff;
	v36 =	vsel vm0, $0x38D1B717, v36;
	v53 =	vsel vm1, $0x3, v3;
	v55 =	vmul.f32 v33, v37  }
0x10d: {  	vm0 =	vgt.f32 v30, v22;
	v22 =	vmul.f32 v36, v40;
	v30 =	vld.idx.msk [tilespmem:v43+s15+$0x0], $0xffff;
	v24 =	vadd.s32 v24, v53  }
0x10e: {  	v27 =	vmul.f32 v36, v27;
	v54 =	vsel vm0, $0x1, v2;
	v35 =	vsub.f32 v15, v35  }
0x10f: {  	v56 =	vor.u32 $0x80, v46;
	v40 =	vadd.s32 v54, v45;
	v42 =	vadd.f32 v22, v29;
	v22 =	vld.idx.msk [tilespmem:v28+s15+$0x0], $0xffff  }
0x110: {  	v28 =	vadd.f32 v27, v55;
	v27 =	vld.idx.msk [tilespmem:v32+s15+$0x0], $0xffff;
	v29 =	vadd.s32 $0x3, v40;
	vm0 =	vgt.f32 v35, $9.999999930e-09  }
0x111: {  	v58 =	vadd.s32 $0x4, v40;
	v57 =	vld.idx.msk [tilespmem:v50+s5+$0x0], $0xffff;
	v37 =	vsel vm0, v56, v46;
	v34 =	vsub.f32 v16, v52  }
0x112: {  	v61 =	vadd.s32 $0x10, v44;
	v59 =	vor.u32 $0x42, v37;
	v24 =	vld.idx.msk [tilespmem:v24+s5+$0x0], $0xffff;
	v30 =	vmul.f32 v42, v30  }
0x113: {  	v23 =	vmul.f32 v33, v23;
	v60 =	vadd.s32 $0x1, v40;
	vm0 =	vgt.f32 v34, v20  }
0x114: {  	v30 =	vadd.f32 v62, v30;
	v22 =	vmul.f32 v28, v22;
	v44 =	vsel vm0, v61, v44  }
0x115: {  	v63 =	vadd.s32 $0xFFFFFFFB, v32;
	v55 =	vadd.s32 $0xFFFFFFF8, v32;
	v62 =	vld.idx.msk [tilespmem:v29+s5+$0x0], $0xffff;
	v54 =	vadd.s32 $0xA, v44  }
0x116: {  	v27 =	vmul.f32 v23, v27;
	v43 =	vld.idx.msk [tilespmem:v58+s5+$0x0], $0xffff;
	v35 =	vsub.f32 v12, v57;
	v30 =	vadd.f32 v30, v22  }
0x117: {  	v53 =	vadd.s32 $0x1, v32;
	v56 =	vadd.s32 $0x4, v48;
	v33 =	vld.idx.msk [tilespmem:v59+s5+$0x0], $0xffff;
	v24 =	vsub.f32 v13, v24  }
0x118: {  	v22 =	vmul.u32 $0x3, v29;
	vm0 =	vgt.f32 v35, $9.999999930e-09;
	v29 =	vadd.f32 v30, v27  }
0x119: {  	v58 =	vadd.s32 $0x2, v40;
	v57 =	vld.idx.msk [tilespmem:v60+s5+$0x0], $0xffff;
	v35 =	vsel vm0, v56, v48;
	vm0 =	vgt.f32 v14, v24  }
0x11a: {  	v50 =	vadd.s32 $0x6, v40;
	v14 =	vadd.s32 $0xFFFFFFFE, v32;
	[tilespmem:v41+s18+$0x0] =	vst.idx.msk $0xffff, v29;
	v41 =	vsel vm0, $0x100, v2;
	v46 =	vld.idx.msk [tilespmem:v54+s5+$0x0], $0xffff  }
0x11b: {  	v27 =	vsub.f32 v17, v62;
	v34 =	vsub.f32 v43, v17;
	v51 =	vor.u32 $0x82, v41;
	v47 =	vld.idx.msk [tilespmem:v55+s15+$0x0], $0xffff  }
0x11c: {  	v61 =	vadd.s32 $0x8, v44;
	v49 =	vadd.s32 $0x4, v35;
	v45 =	vld.idx.msk [tilespmem:v63+s15+$0x0], $0xffff;
	v33 =	vsub.f32 v15, v33  }
0x11d: {  	v40 =	vadd.s32 $0x5, v40;
	v36 =	vadd.s32 $0xFFFFFFF7, v22;
	v62 =	vld.idx.msk [tilespmem:v53+s15+$0x0], $0xffff;
	v52 =	vadd.f32 v34, v27  }
0x11e: {  	v30 =	vadd.s32 $0xFFFFFFFA, v22;
	v54 =	vor.u32 $0x40, v37;
	v63 =	vld.idx.msk [tilespmem:v58+s5+$0x0], $0xffff;
	vm0 =	vgt.f32 v33, $9.999999930e-09  }
0x11f: {  	v29 =	vadd.s32 $0xFFFFFFFD, v22;
	vm1 =	veq.f32 v52, $0.0e+00;
	v14 =	vld.idx.msk [tilespmem:v14+s15+$0x0], $0xffff;
	v48 =	vsel vm0, v54, v37  }
0x120: {  	v59 =	vsel vm1, $0x3F800000, v52;
	v46 =	vsub.f32 v16, v46;
	v60 =	vor.u32 $0x22, v48;
	v51 =	vld.idx.msk [tilespmem:v51+s5+$0x0], $0xffff  }
0x121: {  	v58 =	vadd.s32 $0x2, v35;
	v49 =	vld.idx.msk [tilespmem:v49+s5+$0x0], $0xffff;
	v47 =	vmul.f32 v38, v47;
	(erf) = vrcp.f32 v59  }
0x122: {  	v33 =	vsub.f32 v17, v57;
	v57 =	vadd.s32 v4, v31;
	vm2 =	vgt.f32 v46, v20  }
0x123: {  	v45 =	vmul.f32 v42, v45;
	v47 =	vadd.f32 $0.0e+00, v47;
	v44 =	vsel vm2, v61, v44  }
0x124: {  	v54 =	vadd.f32 v34, v33;
	v59 =	vadd.s32 $0xFFFFFFF9, v32;
	v56 =	vadd.s32 $0x6, v44  }
0x125: {  	v14 =	vmul.f32 v28, v14;
	v45 =	vadd.f32 v47, v45;
	v52 =	vld.idx.msk [tilespmem:v60+s5+$0x0], $0xffff;
	v51 =	vsub.f32 v13, v51  }
0x126: {  	v37 =	vsub.f32 v17, v63;
	v46 =	vmul.f32 v23, v62;
	v49 =	vsub.f32 v12, v49  }
0x127: {  	v60 =	vor.u32 $0x80, v41;
	v14 =	vadd.f32 v45, v14;
	vm3 =	vgt.f32 v51, v24  }
0x128: {  	vm0 =	veq.f32 v54, $0.0e+00;
	vm2 =	vgt.f32 v49, $9.999999930e-09;
	v49 =	vsel vm3, v60, v41  }
0x129: {  	v55 =	vadd.f32 v34, v37;
	v46 =	vadd.f32 v14, v46;
	v61 =	vor.u32 $0x42, v49  }
0x12a: {  	v62 =	vadd.s32 $0xFFFFFFFC, v32;
	v54 =	vsel vm0, $0x3F800000, v54;
	v41 =	vld.idx.msk [tilespmem:v56+s5+$0x0], $0xffff;
	v63 =	vpop (erf);
	v52 =	vsub.f32 v15, v52  }
0x12b: {  	v50 =	vld.idx.msk [tilespmem:v50+s5+$0x0], $0xffff;
	v35 =	vsel vm2, v58, v35;
	vm3 =	veq.f32 v55, $0.0e+00;
	v56 =	vsel vm1, $0x38D1B717, v63;
	[tilespmem:v57+s18+$0x0] =	vst.idx.msk $0xffff, v46  }
0x12c: {  	v57 =	vor.u32 $0x20, v48;
	v45 =	vld.idx.msk [tilespmem:v59+s15+$0x0], $0xffff;
	v59 =	vsel vm3, $0x3F800000, v55;
	vm1 =	vgt.f32 v52, $9.999999930e-09  }
0x12d: {  	v14 =	vbroadcast v39, $0x0;
	v52 =	vld.idx.msk [tilespmem:v40+s5+$0x0], $0xffff;
	(erf) = vrcp.f32 v59;
	v48 =	vsel vm1, v57, v48  }
0x12e: {  	v58 =	vmul.f32 v56, v34;
	v55 =	vadd.s32 $0xFFFFFFFF, v32;
	v60 =	vadd.s32 $0x12, v48;
	v43 =	vld.idx.msk [tilespmem:v61+s5+$0x0], $0xffff  }
0x12f: {  	v51 =	vld.idx.msk [tilespmem:v62+s15+$0x0], $0xffff;
	v62 =	vadd.s32 $0x4, v44;
	v32 =	vadd.s32 $0x2, v32;
	v61 =	vsub.f32 v16, v41  }
0x130: {  	v40 =	vadd.s32 $0x3, v35;
	(erf) = vrcp.f32 v54;
	v41 =	vmul.f32 v56, v27  }
0x131: {  	v56 =	vadd.f32 $0.0e+00, v58;
	vm1 =	vgt.f32 v61, v20;
	v63 =	vmul.f32 v38, v45  }
0x132: {  	v38 =	vsub.f32 v50, v17;
	v46 =	vsel vm1, v62, v44;
	v39 =	vsub.f32 v52, v17  }
0x133: {  	v17 =	vadd.s32 v5, v31;
	v57 =	vadd.s32 $0x4, v46;
	v58 =	vld.idx.msk [tilespmem:v60+s5+$0x0], $0xffff;
	v59 =	vsub.f32 v13, v43  }
0x134: {  	v44 =	vmul.f32 v42, v51;
	v42 =	vld.idx.msk [tilespmem:v55+s15+$0x0], $0xffff;
	v31 =	vadd.f32 v39, v27;
	v60 =	vadd.f32 v39, v37  }
0x135: {  	v61 =	vor.u32 $0x40, v49;
	v43 =	vadd.f32 $0.0e+00, v63;
	vm1 =	vgt.f32 v59, v24  }
0x136: {  	vm2 =	veq.f32 v31, $0.0e+00;
	v63 =	vpop (erf);
	v47 =	vsel vm1, v61, v49;
	vm1 =	veq.f32 v60, $0.0e+00  }
0x137: {  	v32 =	vld.idx.msk [tilespmem:v32+s15+$0x0], $0xffff;
	v62 =	vsel vm2, $0x3F800000, v31;
	v52 =	vmul.f32 v56, v63;
	v51 =	vor.u32 $0x22, v47  }
0x138: {  	v49 =	vsel vm1, $0x3F800000, v60;
	v50 =	vld.idx.msk [tilespmem:v57+s5+$0x0], $0xffff;
	(erf) = vrcp.f32 v62;
	v31 =	vsub.f32 v15, v58  }
.LBB2_3:
0x139: {  	s24 =	sadd.s32 $0x10, s24;
	s23 =	sadd.s32 $0x10, s23;
	v45 =	vadd.f32 v38, v27;
	v43 =	vadd.f32 v43, v44;
	v28 =	vmul.f32 v28, v42  }
0x13a: {  	v44 =	vadd.s32 $0x10, v48;
	v42 =	vld.idx.msk [tilespmem:v1+s5+$0x0], $0xffff;
	p0 =	slt.u32 s24, $0x1F0;
	vm4 =	vgt.f32 v31, $9.999999930e-09;
	v52 =	vsel vm3, $0x38D1B717, v52  }
0x13b: {  	v31 =	vld [tilespmem:s23+$0x0];
	v44 =	vsel vm4, v44, v48;
	v48 =	vmul.f32 v52, v34;
	vm3 =	veq.f32 v45, $0.0e+00  }
0x13c: {  	v23 =	vmul.f32 v32, v23;
	v28 =	vadd.f32 v43, v28;
	v53 =	vadd.s32 $0xA, v44;
	v51 =	vld.idx.msk [tilespmem:v51+s5+$0x0], $0xffff  }
0x13d: {  	v32 =	vsub.f32 v16, v50;
	v45 =	vsel vm3, $0x3F800000, v45;
	v43 =	vadd.f32 $0.0e+00, v48  }
0x13e: {  	v48 =	vmul.f32 v52, v37;
	v23 =	vadd.f32 v28, v23;
	v50 =	vpop (erf);
	(erf) = vrcp.f32 v45  }
0x13f: {  	v28 =	vadd.s32 $0x2, v46;
	vm4 =	vgt.f32 v32, v20;
	v50 =	vmul.f32 v43, v50;
	v36 =	vld.idx.msk [tilespmem:v36+s15+$0x0], $0xffff  }
0x140: {  	v28 =	vsel vm4, v28, v46;
	v42 =	vsub.f32 v31, v42;
	(erf) = vrcp.f32 v49;
	[tilespmem:v17+s18+$0x0] =	vst.idx.msk $0xffff, v23  }
0x141: {  	v45 =	vadd.s32 $0x3, v28;
	v23 =	vmov s24;
	v43 =	vld.idx.msk [tilespmem:v53+s5+$0x0], $0xffff;
	v17 =	vsel vm0, $0x38D1B717, v50;
	v32 =	vpop (erf)  }
0x142: {  	v46 =	vsub.f32 v13, v51;
	vm0 =	vgt.f32 v42, $9.999999930e-09;
	v34 =	vmul.f32 v17, v34  }
0x143: {  	v32 =	vmul.f32 v41, v32;
	v33 =	vmul.f32 v17, v33;
	v49 =	vsel vm0, $0x100, v2;
	v50 =	vld.idx.msk [tilespmem:v26+s5+$0x0], $0xffff;
	v26 =	vmovc v40  }
0x144: {  	v17 =	vor.u32 $0x20, v47;
	vm0 =	vgt.f32 v46, v24;
	v40 =	vor.u32 $0x82, v49  }
0x145: {  	v41 =	vsel vm0, v17, v47;
	v32 =	vsel vm2, $0x38D1B717, v32;
	v17 =	vadd.f32 $0.0e+00, v34  }
0x146: {  	v34 =	vadd.s32 $0x12, v41;
	v46 =	vmul.f32 v32, v39;
	v32 =	vmul.f32 v32, v27;
	v45 =	vld.idx.msk [tilespmem:v45+s5+$0x0], $0xffff  }
0x147: {  	v47 =	vmul.u32 $0x3, v23;
	v51 =	vsub.f32 v15, v43;
	v36 =	vmul.f32 v17, v36;
	v43 =	vpop (erf)  }
0x148: {  	v46 =	vadd.f32 v48, v46;
	v32 =	vmul.f32 v32, v43;
	v43 =	vadd.s32 v0, v11  }
0x149: {  	v48 =	vadd.s32 $0x8, v44;
	vm0 =	vgt.f32 v51, $9.999999930e-09;
	v36 =	vadd.f32 $0.0e+00, v36;
	v40 =	vld.idx.msk [tilespmem:v40+s5+$0x0], $0xffff;
	v23 =	vpop (erf)  }
0x14a: {  	v44 =	vsel vm0, v48, v44;
	v48 =	vsub.f32 v10, v50;
	v23 =	vmul.f32 v46, v23  }
0x14b: {  	v51 =	vadd.s32 $0xFFFFFFFB, v22;
	v46 =	vadd.s32 $0x6, v44;
	v50 =	vsel vm3, $0x38D1B717, v32;
	v34 =	vld.idx.msk [tilespmem:v34+s5+$0x0], $0xffff  }
0x14c: {  	vm0 =	vgt.f32 v48, $9.999999930e-09;
	v32 =	vsub.f32 v16, v45;
	v23 =	vsel vm1, $0x38D1B717, v23  }
0x14d: {  	v45 =	vsel vm0, $0x3, v3;
	v39 =	vmul.f32 v23, v39;
	v23 =	vmul.f32 v23, v37;
	v30 =	vld.idx.msk [tilespmem:v30+s15+$0x0], $0xffff  }
0x14e: {  	v38 =	vmul.f32 v50, v38;
	v37 =	vadd.s32 v25, v45;
	vm0 =	vgt.f32 v32, v20;
	v20 =	vmovc v24  }
0x14f: {  	v25 =	vmovc v35;
	v24 =	vsub.f32 v31, v40;
	v40 =	vsel vm0, $0x1, v2;
	v32 =	vadd.f32 v39, v33;
	v29 =	vld.idx.msk [tilespmem:v29+s15+$0x0], $0xffff  }
0x150: {  	v39 =	vadd.s32 v40, v28;
	v28 =	vadd.f32 v23, v38;
	v23 =	vmul.f32 v50, v27;
	v27 =	vld.idx.msk [tilespmem:v22+s15+$0x0], $0xffff  }
0x151: {  	v33 =	vor.u32 $0x80, v49;
	vm0 =	vgt.f32 v24, $9.999999930e-09;
	v35 =	vadd.s32 $0x3, v39;
	v24 =	vld.idx.msk [tilespmem:v46+s5+$0x0], $0xffff  }
0x152: {  	v40 =	vsel vm0, v33, v49;
	v46 =	vadd.s32 $0x2, v39;
	v33 =	vadd.s32 $0x4, v39  }
0x153: {  	v48 =	vadd.s32 $0x1, v39;
	v45 =	vor.u32 $0x42, v40;
	v30 =	vmul.f32 v32, v30;
	v37 =	vld.idx.msk [tilespmem:v37+s5+$0x0], $0xffff  }
0x154: {  	v34 =	vsub.f32 v13, v34;
	v49 =	vadd.s32 $0x6, v39;
	v38 =	vmul.u32 $0x3, v35  }
0x155: {  	v50 =	vadd.s32 $0xFFFFFFF8, v22;
	v30 =	vadd.f32 v36, v30;
	v29 =	vmul.f32 v28, v29  }
0x156: {  	vm0 =	vgt.f32 v34, v20;
	v36 =	vadd.s32 $0x10, v41;
	v27 =	vmul.f32 v23, v27;
	v34 =	vld.idx.msk [tilespmem:v35+s5+$0x0], $0xffff  }
0x157: {  	v24 =	vsub.f32 v15, v24;
	v35 =	vsel vm0, v36, v41;
	v29 =	vadd.f32 v30, v29;
	v33 =	vld.idx.msk [tilespmem:v33+s5+$0x0], $0xffff  }
0x158: {  	v36 =	vadd.s32 $0xFFFFFFF7, v38;
	v30 =	vadd.s32 $0xFFFFFFFA, v38;
	v41 =	vadd.s32 $0xA, v35;
	v48 =	vld.idx.msk [tilespmem:v48+s5+$0x0], $0xffff  }
0x159: {  	vm0 =	vgt.f32 v24, $9.999999930e-09;
	v27 =	vadd.f32 v29, v27;
	v52 =	vld.idx.msk [tilespmem:v45+s5+$0x0], $0xffff;
	v45 =	vadd.s32 $0x4, v44  }
0x15a: {  	v24 =	vsub.f32 v10, v37;
	v29 =	vadd.s32 $0xFFFFFFFD, v38;
	v44 =	vsel vm0, v45, v44  }
0x15b: {  	v45 =	vbroadcast v47, $0x0;
	v37 =	vadd.s32 $0x4, v44;
	[tilespmem:v43+s18+$0x0] =	vst.idx.msk $0xffff, v27  }
0x15c: {  	vm0 =	vgt.f32 v18, v24;
	v18 =	vmovc v19;
	v19 =	vmovc v21;
	v27 =	vsub.f32 v16, v34;
	v43 =	vadd.s32 $0xFFFFFFFE, v22  }
0x15d: {  	v21 =	vmov v42;
	v47 =	vsel vm0, $0x100, v2;
	v34 =	vsub.f32 v33, v16;
	v41 =	vld.idx.msk [tilespmem:v41+s5+$0x0], $0xffff  }
0x15e: {  	v42 =	vor.u32 $0x82, v47;
	v33 =	vsub.f32 v16, v48;
	v48 =	vld.idx.msk [tilespmem:v50+s15+$0x0], $0xffff  }
0x15f: {  	v50 =	vsub.f32 v31, v52;
	v52 =	vadd.f32 v34, v27;
	v51 =	vld.idx.msk [tilespmem:v51+s15+$0x0], $0xffff  }
0x160: {  	v54 =	vadd.s32 $0x1, v22;
	v53 =	vadd.f32 v34, v33;
	v37 =	vld.idx.msk [tilespmem:v37+s5+$0x0], $0xffff  }
0x161: {  	v55 =	vor.u32 $0x40, v40;
	vm0 =	vgt.f32 v50, $9.999999930e-09;
	vm1 =	veq.f32 v52, $0.0e+00;
	v43 =	vld.idx.msk [tilespmem:v43+s15+$0x0], $0xffff  }
0x162: {  	v50 =	vsel vm0, v55, v40;
	v40 =	vsel vm1, $0x3F800000, v52;
	vm0 =	veq.f32 v53, $0.0e+00  }
0x163: {  	v52 =	vor.u32 $0x22, v50;
	v41 =	vsub.f32 v13, v41;
	v42 =	vld.idx.msk [tilespmem:v42+s5+$0x0], $0xffff;
	(erf) = vrcp.f32 v40  }
0x164: {  	v53 =	vsel vm0, $0x3F800000, v53;
	v40 =	vmul.f32 v17, v48  }
0x165: {  	v48 =	vadd.s32 $0x8, v35;
	vm2 =	vgt.f32 v41, v20;
	v41 =	vmul.f32 v32, v51;
	v51 =	vld.idx.msk [tilespmem:v54+s15+$0x0], $0xffff  }
0x166: {  	v37 =	vsub.f32 v15, v37;
	v54 =	vsel vm2, v48, v35;
	v35 =	vadd.f32 $0.0e+00, v40;
	v46 =	vld.idx.msk [tilespmem:v46+s5+$0x0], $0xffff  }
0x167: {  	v55 =	vadd.s32 v4, v11;
	v48 =	vadd.s32 $0x6, v54;
	v43 =	vmul.f32 v28, v43  }
0x168: {  	v40 =	vadd.s32 $0x2, v44;
	vm2 =	vgt.f32 v37, $9.999999930e-09;
	v37 =	vadd.f32 v35, v41;
	v52 =	vld.idx.msk [tilespmem:v52+s5+$0x0], $0xffff  }
0x169: {  	v35 =	vsel vm2, v40, v44;
	v41 =	vsub.f32 v10, v42;
	v42 =	vadd.s32 $0xFFFFFFFC, v22  }
0x16a: {  	v44 =	vadd.s32 $0xFFFFFFF9, v22;
	v40 =	vadd.s32 $0x3, v35;
	v43 =	vadd.f32 v37, v43  }
0x16b: {  	v37 =	vor.u32 $0x80, v47;
	vm2 =	vgt.f32 v41, v24;
	v41 =	vmul.f32 v23, v51  }
0x16c: {  	v39 =	vadd.s32 $0x5, v39;
	v47 =	vsel vm2, v37, v47;
	v37 =	vsub.f32 v16, v46;
	v51 =	vld.idx.msk [tilespmem:v48+s5+$0x0], $0xffff;
	v46 =	vpop (erf)  }
0x16d: {  	v56 =	vor.u32 $0x42, v47;
	v43 =	vadd.f32 v43, v41;
	v46 =	vsel vm1, $0x38D1B717, v46  }
0x16e: {  	v48 =	vsub.f32 v31, v52;
	v57 =	vadd.f32 v34, v37;
	v52 =	vmul.f32 v46, v34  }
0x16f: {  	v41 =	vmul.f32 v46, v27;
	v49 =	vld.idx.msk [tilespmem:v49+s5+$0x0], $0xffff;
	[tilespmem:v55+s18+$0x0] =	vst.idx.msk $0xffff, v43;
	v43 =	vadd.s32 $0xFFFFFFFF, v22  }
0x170: {  	v46 =	vor.u32 $0x20, v50;
	vm1 =	vgt.f32 v48, $9.999999930e-09;
	v52 =	vadd.f32 $0.0e+00, v52;
	v44 =	vld.idx.msk [tilespmem:v44+s15+$0x0], $0xffff  }
0x171: {  	vm3 =	veq.f32 v57, $0.0e+00;
	v48 =	vsel vm1, v46, v50;
	v39 =	vld.idx.msk [tilespmem:v39+s5+$0x0], $0xffff  }
0x172: {  	v50 =	vadd.s32 $0x12, v48;
	v46 =	vsub.f32 v13, v51;
	v51 =	vsel vm3, $0x3F800000, v57;
	v55 =	vld.idx.msk [tilespmem:v56+s5+$0x0], $0xffff  }
0x173: {  	(erf) = vrcp.f32 v51;
	v51 =	vld.idx.msk [tilespmem:v42+s15+$0x0], $0xffff  }
0x174: {  	v56 =	vadd.s32 $0x4, v54;
	vm1 =	vgt.f32 v46, v20;
	v42 =	vld.idx.msk [tilespmem:v43+s15+$0x0], $0xffff  }
0x175: {  	v46 =	vsel vm1, v56, v54;
	v54 =	vadd.s32 $0x2, v22;
	v22 =	vmov v38  }
0x176: {  	v56 =	vadd.s32 $0x4, v46;
	v17 =	vmul.f32 v17, v44  }
0x177: {  	v38 =	vsub.f32 v49, v16;
	v39 =	vsub.f32 v39, v16;
	v16 =	vmovc v13;
	v13 =	vmov v10;
	v57 =	vld.idx.msk [tilespmem:v50+s5+$0x0], $0xffff  }
0x178: {  	v10 =	vmovc v12;
	v12 =	vmovc v15;
	v49 =	vsub.f32 v13, v55;
	v43 =	vadd.f32 $0.0e+00, v17;
	v17 =	vadd.s32 v5, v11  }
.Ltmp0:
0x179: {  	v15 =	vmovc v31;
	v55 =	vadd.f32 v39, v27;
	v58 =	vadd.f32 v39, v37;
	v44 =	vmul.f32 v32, v51;
	(pc) =	sbr.rel @p0 .LBB2_3-.Ltmp0, $4  }
0x17a: {  	v31 =	vor.u32 $0x40, v47;
	v11 =	vmovc v7;
	v7 =	vmovc v8;
	vm1 =	vgt.f32 v49, v24;
	(erf) = vrcp.f32 v53;
	v32 =	vld.idx.msk [tilespmem:v54+s15+$0x0], $0xffff  }
0x17b: {  	v8 =	vmovc v6;
	v6 =	vmovc v9;
	v47 =	vsel vm1, v31, v47;
	vm2 =	veq.f32 v55, $0.0e+00;
	vm1 =	veq.f32 v58, $0.0e+00;
	v50 =	vld.idx.msk [tilespmem:v56+s5+$0x0], $0xffff  }
0x17c: {  	v51 =	vor.u32 $0x22, v47;
	v54 =	vsel vm2, $0x3F800000, v55;
	v49 =	vsel vm1, $0x3F800000, v58;
	v53 =	vpop (erf)  }
0x17d: {  	v9 =	vmovc v14;
	v14 =	vmovc v45;
	v31 =	vsub.f32 v15, v57;
	v52 =	vmul.f32 v52, v53;
	(erf) = vrcp.f32 v54  }
0x17e: {  	_ =	sdelay $0x3  }
0x17f: {  	v26 =	vld.idx.msk [tilespmem:v26+s5+$0x0], $0xffff;
	_ =	sdelay $0x1  }
0x180: {  	v45 =	vadd.s32 $0x10, v48;
	vm4 =	vgt.f32 v31, $9.999999930e-09  }
0x181: {  	v31 =	vsel vm4, v45, v48  }
0x182: {  	v45 =	vadd.s32 $0xA, v31  }
0x183: {  	v26 =	vsub.f32 v10, v26;
	_ =	sdelay $0x1  }
0x184: {  	vm15 =	vgt.f32 v26, $9.999999930e-09  }
0x185: {  	v58 =	vsel vm15, $0x3, v3  }
0x186: {  	v57 =	vld.idx.msk [tilespmem:v45+s5+$0x0], $0xffff;
	v25 =	vadd.s32 v25, v58;
	_ =	sdelay $0x4  }
0x187: {  	v26 =	vsub.f32 v15, v57;
	v25 =	vld.idx.msk [tilespmem:v25+s5+$0x0], $0xffff;
	_ =	sdelay $0x1  }
0x188: {  	v59 =	vadd.s32 $0x8, v31;
	vm8 =	vgt.f32 v26, $9.999999930e-09  }
0x189: {  	v26 =	vsel vm8, v59, v31  }
0x18a: {  	v45 =	vadd.s32 $0x6, v26  }
0x18b: {  	v31 =	vsub.f32 v10, v25;
	_ =	sdelay $0x1  }
0x18c: {  	v60 =	vadd.f32 v38, v27;
	v51 =	vld.idx.msk [tilespmem:v51+s5+$0x0], $0xffff;
	vm9 =	vgt.f32 v18, v31  }
0x18d: {  	v40 =	vld.idx.msk [tilespmem:v40+s5+$0x0], $0xffff;
	v61 =	vsel vm3, $0x38D1B717, v52;
	v62 =	vsub.f32 v16, v50;
	v50 =	vsel vm9, $0x100, v2  }
0x18e: {  	v52 =	vmul.f32 v61, v34;
	vm10 =	veq.f32 v60, $0.0e+00;
	v45 =	vld.idx.msk [tilespmem:v45+s5+$0x0], $0xffff;
	v53 =	vor.u32 $0x82, v50  }
0x18f: {  	v63 =	vadd.s32 $0x2, v46;
	v25 =	vsel vm10, $0x3F800000, v60  }
0x190: {  	v52 =	vadd.f32 $0.0e+00, v52;
	vm11 =	vgt.f32 v62, v20;
	(erf) = vrcp.f32 v25  }
0x191: {  	v54 =	vpop (erf);
	v51 =	vsub.f32 v13, v51;
	v25 =	vsel vm11, v63, v46;
	(erf) = vrcp.f32 v49  }
0x192: {  	v40 =	vsub.f32 v12, v40;
	v55 =	vmul.f32 v52, v54;
	v46 =	vadd.s32 $0x3, v25  }
0x193: {  	v48 =	vmul.f32 v61, v37;
	vm13 =	vgt.f32 v51, v24;
	v56 =	vpop (erf);
	v45 =	vsub.f32 v15, v45;
	v58 =	vld.idx.msk [tilespmem:v53+s5+$0x0], $0xffff  }
0x194: {  	vm15 =	vgt.f32 v40, $9.999999930e-09;
	v41 =	vmul.f32 v41, v56;
	v18 =	vsel vm0, $0x38D1B717, v55  }
0x195: {  	v36 =	vld.idx.msk [tilespmem:v36+s15+$0x0], $0xffff;
	v59 =	vadd.s32 $0x4, v26;
	v57 =	vmul.f32 v18, v34;
	vm12 =	vgt.f32 v45, $9.999999930e-09  }
0x196: {  	v41 =	vsel vm2, $0x38D1B717, v41;
	v60 =	vor.u32 $0x20, v47;
	v26 =	vsel vm12, v59, v26  }
0x197: {  	v62 =	vmul.f32 v41, v39;
	v46 =	vld.idx.msk [tilespmem:v46+s5+$0x0], $0xffff;
	v45 =	vsel vm13, v60, v47;
	v47 =	vadd.s32 $0x4, v26  }
0x198: {  	v34 =	vadd.f32 $0.0e+00, v57;
	v61 =	vadd.s32 $0x12, v45;
	v56 =	vsub.f32 v10, v58  }
0x199: {  	v48 =	vadd.f32 v48, v62;
	v63 =	vmul.f32 v41, v27;
	v18 =	vmul.f32 v18, v33;
	v57 =	vpop (erf)  }
0x19a: {  	v36 =	vmul.f32 v34, v36;
	v59 =	vor.u32 $0x80, v50;
	v58 =	vpop (erf);
	vm14 =	vgt.f32 v56, v31  }
0x19b: {  	v33 =	vmul.f32 v63, v57;
	v60 =	vmul.f32 v48, v58;
	v48 =	vsel vm14, v59, v50  }
0x19c: {  	v63 =	vsel vm15, $0x3, v3;
	v46 =	vsub.f32 v16, v46;
	v47 =	vld.idx.msk [tilespmem:v47+s5+$0x0], $0xffff;
	v62 =	vor.u32 $0x42, v48  }
0x19d: {  	v51 =	vadd.s32 v0, v11;
	v36 =	vadd.f32 $0.0e+00, v36;
	v35 =	vadd.s32 v35, v63;
	v61 =	vld.idx.msk [tilespmem:v61+s5+$0x0], $0xffff  }
0x19e: {  	v30 =	vld.idx.msk [tilespmem:v30+s15+$0x0], $0xffff;
	v52 =	vadd.s32 $0x10, v45;
	vm4 =	vgt.f32 v46, v20;
	v41 =	vsel vm1, $0x38D1B717, v60  }
0x19f: {  	v33 =	vsel vm10, $0x38D1B717, v33;
	v56 =	vsel vm4, $0x1, v2;
	v54 =	vmul.f32 v41, v39  }
0x1a0: {  	v57 =	vmul.f32 v33, v38;
	v25 =	vadd.s32 v56, v25;
	v55 =	vmul.f32 v41, v37;
	v41 =	vld.idx.msk [tilespmem:v29+s15+$0x0], $0xffff  }
0x1a1: {  	v29 =	vadd.f32 v54, v18;
	v18 =	vadd.s32 $0x3, v25;
	v58 =	vsub.f32 v15, v47;
	v60 =	vld.idx.msk [tilespmem:v62+s5+$0x0], $0xffff  }
0x1a2: {  	v27 =	vmul.f32 v33, v27;
	v35 =	vld.idx.msk [tilespmem:v35+s5+$0x0], $0xffff;
	v59 =	vsub.f32 v13, v61;
	v61 =	vadd.s32 $0x4, v25  }
0x1a3: {  	v63 =	vld.idx.msk [tilespmem:v22+s15+$0x0], $0xffff;
	v53 =	vmul.f32 v29, v30;
	v62 =	vadd.s32 $0x2, v26;
	vm5 =	vgt.f32 v58, $9.999999930e-09  }
0x1a4: {  	v30 =	vadd.f32 v55, v57;
	vm6 =	vgt.f32 v59, v24;
	v47 =	vsel vm5, v62, v26  }
0x1a5: {  	v45 =	vsel vm6, v52, v45;
	v20 =	vadd.f32 v36, v53;
	v54 =	vadd.s32 $0x3, v47  }
0x1a6: {  	v59 =	vmul.f32 v30, v41;
	v55 =	vadd.s32 $0xA, v45;
	v57 =	vld.idx.msk [tilespmem:v18+s5+$0x0], $0xffff;
	v58 =	vsub.f32 v10, v60  }
0x1a7: {  	v56 =	vadd.s32 $0x1, v25;
	v26 =	vsub.f32 v12, v35;
	v62 =	vor.u32 $0x40, v48;
	v46 =	vld.idx.msk [tilespmem:v61+s5+$0x0], $0xffff  }
0x1a8: {  	v61 =	vmul.f32 v27, v63;
	v20 =	vadd.f32 v20, v59;
	vm7 =	vgt.f32 v58, v31  }
0x1a9: {  	vm8 =	vgt.f32 v19, v26;
	v60 =	vadd.s32 $0xFFFFFFF8, v22;
	v38 =	vsel vm7, v62, v48  }
0x1aa: {  	v63 =	vld.idx.msk [tilespmem:v54+s5+$0x0], $0xffff;
	v48 =	vadd.f32 v43, v44;
	v44 =	vsel vm8, $0x100, v2;
	v50 =	vor.u32 $0x22, v38  }
0x1ab: {  	v28 =	vmul.f32 v28, v42;
	v35 =	vadd.f32 v20, v61;
	v49 =	vld.idx.msk [tilespmem:v55+s5+$0x0], $0xffff;
	v52 =	vor.u32 $0x82, v44  }
0x1ac: {  	v33 =	vsub.f32 v16, v57;
	v57 =	vadd.s32 $0xFFFFFFFB, v22;
	v20 =	vsub.f32 v46, v16  }
0x1ad: {  	v23 =	vmul.f32 v32, v23;
	v53 =	vld.idx.msk [tilespmem:v56+s5+$0x0], $0xffff;
	[tilespmem:v51+s18+$0x0] =	vst.idx.msk $0xffff, v35;
	v54 =	vadd.s32 $0x2, v25  }
0x1ae: {  	v18 =	vmul.u32 $0x3, v18;
	v59 =	vadd.s32 $0x8, v45;
	v55 =	vld.idx.msk [tilespmem:v60+s15+$0x0], $0xffff;
	v56 =	vadd.f32 v20, v33  }
0x1af: {  	v58 =	vadd.s32 $0xFFFFFFFE, v22;
	v28 =	vadd.f32 v48, v28;
	v19 =	vsub.f32 v15, v63;
	v43 =	vld.idx.msk [tilespmem:v50+s5+$0x0], $0xffff  }
0x1b0: {  	v40 =	vsub.f32 v13, v49;
	vm9 =	veq.f32 v56, $0.0e+00;
	v49 =	vadd.s32 $0xFFFFFFF7, v18;
	v42 =	vld.idx.msk [tilespmem:v52+s5+$0x0], $0xffff  }
0x1b1: {  	v41 =	vld.idx.msk [tilespmem:v57+s15+$0x0], $0xffff;
	v57 =	vor.u32 $0x80, v44;
	v23 =	vadd.f32 v28, v23;
	vm10 =	vgt.f32 v19, $9.999999930e-09  }
0x1b2: {  	v37 =	vsel vm9, $0x3F800000, v56;
	v35 =	vld.idx.msk [tilespmem:v54+s5+$0x0], $0xffff;
	vm11 =	vgt.f32 v40, v24;
	v60 =	vsel vm10, $0x3, v3  }
0x1b3: {  	v56 =	vor.u32 $0x20, v38;
	v45 =	vsel vm11, v59, v45;
	v40 =	vadd.s32 v47, v60  }
0x1b4: {  	(erf) = vrcp.f32 v37;
	v61 =	vadd.s32 $0x6, v45;
	v43 =	vsub.f32 v10, v43  }
0x1b5: {  	v63 =	vld.idx.msk [tilespmem:v58+s15+$0x0], $0xffff;
	v39 =	vmul.f32 v34, v55;
	v47 =	vadd.s32 $0x6, v25;
	v62 =	vsub.f32 v12, v42  }
0x1b6: {  	v25 =	vadd.s32 $0x5, v25;
	v41 =	vmul.f32 v29, v41;
	vm12 =	vgt.f32 v43, v31  }
0x1b7: {  	v36 =	vsub.f32 v16, v35;
	vm13 =	vgt.f32 v62, v26;
	v38 =	vsel vm12, v56, v38  }
0x1b8: {  	v39 =	vadd.f32 $0.0e+00, v39;
	v40 =	vld.idx.msk [tilespmem:v40+s5+$0x0], $0xffff;
	v43 =	vsel vm13, v57, v44;
	v59 =	vadd.s32 $0x12, v38  }
0x1b9: {  	v37 =	vsub.f32 v16, v53;
	v58 =	vld.idx.msk [tilespmem:v61+s5+$0x0], $0xffff;
	v61 =	vadd.f32 v20, v36;
	v60 =	vor.u32 $0x42, v43  }
0x1ba: {  	v52 =	vadd.s32 $0x1, v22;
	v42 =	vmul.f32 v30, v63;
	v39 =	vadd.f32 v39, v41  }
0x1bb: {  	v19 =	vadd.s32 $0xFFFFFFFA, v18;
	v44 =	vadd.f32 v20, v37;
	v63 =	vld.idx.msk [tilespmem:v25+s5+$0x0], $0xffff;
	vm14 =	veq.f32 v61, $0.0e+00  }
0x1bc: {  	v35 =	vadd.s32 $0xFFFFFFFD, v18;
	v39 =	vadd.f32 v39, v42;
	v47 =	vld.idx.msk [tilespmem:v47+s5+$0x0], $0xffff;
	v55 =	vsel vm14, $0x3F800000, v61  }
0x1bd: {  	vm0 =	veq.f32 v44, $0.0e+00;
	(erf) = vrcp.f32 v55;
	v25 =	vsub.f32 v15, v40;
	v48 =	vld.idx.msk [tilespmem:v59+s5+$0x0], $0xffff  }
0x1be: {  	v62 =	vpop (erf);
	v44 =	vsel vm0, $0x3F800000, v44;
	v55 =	vadd.s32 $0x10, v38;
	v54 =	vsub.f32 v13, v58;
	v57 =	vld.idx.msk [tilespmem:v60+s5+$0x0], $0xffff  }
0x1bf: {  	v58 =	vadd.s32 $0x4, v45;
	v40 =	vsel vm9, $0x38D1B717, v62;
	vm15 =	vgt.f32 v21, v25  }
0x1c0: {  	v51 =	vsub.f32 v63, v16;
	vm6 =	vgt.f32 v54, v24;
	v41 =	vsel vm15, $0x100, v2  }
0x1c1: {  	v16 =	vsub.f32 v47, v16;
	v21 =	vsel vm6, v58, v45;
	v59 =	vor.u32 $0x82, v41  }
0x1c2: {  	v56 =	vmul.f32 v40, v20;
	v60 =	vadd.s32 $0x4, v21;
	v61 =	vsub.f32 v10, v48  }
0x1c3: {  	(erf) = vrcp.f32 v44;
	v62 =	vld.idx.msk [tilespmem:v52+s15+$0x0], $0xffff;
	v53 =	vadd.f32 v51, v33;
	v46 =	vsub.f32 v12, v57  }
0x1c4: {  	v63 =	vadd.f32 v51, v36;
	v45 =	vadd.f32 $0.0e+00, v56;
	vm7 =	vgt.f32 v61, v31  }
0x1c5: {  	v56 =	vor.u32 $0x40, v43;
	vm8 =	vgt.f32 v46, v26;
	v38 =	vsel vm7, v55, v38  }
0x1c6: {  	v52 =	vadd.s32 v4, v11;
	v42 =	vld.idx.msk [tilespmem:v59+s5+$0x0], $0xffff;
	v43 =	vsel vm8, v56, v43;
	v58 =	vadd.s32 $0xA, v38  }
0x1c7: {  	vm9 =	veq.f32 v53, $0.0e+00;
	vm10 =	veq.f32 v63, $0.0e+00;
	v57 =	vld.idx.msk [tilespmem:v60+s5+$0x0], $0xffff;
	v47 =	vor.u32 $0x22, v43  }
0x1c8: {  	v48 =	vmul.f32 v27, v62;
	v62 =	vadd.f32 v16, v33;
	v59 =	vsel vm9, $0x3F800000, v53  }
0x1c9: {  	v40 =	vmul.f32 v40, v33;
	v63 =	vsel vm10, $0x3F800000, v63;
	v60 =	vpop (erf);
	(erf) = vrcp.f32 v59  }
0x1ca: {  	v39 =	vadd.f32 v39, v48;
	vm11 =	veq.f32 v62, $0.0e+00;
	v61 =	vmul.f32 v45, v60  }
0x1cb: {  	v53 =	vadd.s32 $0xFFFFFFF9, v22;
	v45 =	vsel vm11, $0x3F800000, v62;
	v42 =	vsub.f32 v15, v42;
	v50 =	vld.idx.msk [tilespmem:v58+s5+$0x0], $0xffff  }
0x1cc: {  	v59 =	vadd.s32 $0x2, v21;
	v44 =	vsel vm14, $0x38D1B717, v61;
	v46 =	vsub.f32 v13, v57;
	v47 =	vld.idx.msk [tilespmem:v47+s5+$0x0], $0xffff  }
0x1cd: {  	(erf) = vrcp.f32 v45;
	v57 =	vor.u32 $0x80, v41;
	vm12 =	vgt.f32 v42, v25  }
0x1ce: {  	v58 =	vmul.f32 v44, v20;
	vm13 =	vgt.f32 v46, v24;
	v41 =	vsel vm12, v57, v41  }
0x1cf: {  	(erf) = vrcp.f32 v63;
	v21 =	vsel vm13, v59, v21;
	v60 =	vor.u32 $0x42, v41  }
0x1d0: {  	v42 =	vadd.f32 $0.0e+00, v58;
	v62 =	vadd.s32 $0x3, v21;
	v50 =	vsub.f32 v10, v50  }
0x1d1: {  	v54 =	vadd.s32 $0xFFFFFFFC, v22;
	[tilespmem:v52+s18+$0x0] =	vst.idx.msk $0xffff, v39;
	v55 =	vadd.s32 $0x8, v38;
	v61 =	vpop (erf);
	v52 =	vsub.f32 v12, v47  }
0x1d2: {  	v56 =	vor.u32 $0x20, v43;
	v39 =	vmul.f32 v42, v61;
	v63 =	vpop (erf);
	vm14 =	vgt.f32 v50, v31  }
0x1d3: {  	v47 =	vld.idx.msk [tilespmem:v53+s15+$0x0], $0xffff;
	v40 =	vmul.f32 v40, v63;
	vm15 =	vgt.f32 v52, v26;
	v38 =	vsel vm14, v55, v38  }
0x1d4: {  	v59 =	vmul.f32 v44, v36;
	v57 =	vld.idx.msk [tilespmem:v60+s5+$0x0], $0xffff;
	v42 =	vsel vm15, v56, v43;
	v58 =	vadd.s32 $0x6, v38  }
0x1d5: {  	v39 =	vsel vm0, $0x38D1B717, v39;
	v40 =	vsel vm9, $0x38D1B717, v40;
	v60 =	vld.idx.msk [tilespmem:v62+s5+$0x0], $0xffff;
	v62 =	vadd.s32 $0x12, v42  }
0x1d6: {  	v52 =	vadd.s32 $0xFFFFFFFF, v22;
	v61 =	vmul.f32 v40, v51;
	v40 =	vmul.f32 v40, v33  }
0x1d7: {  	v49 =	vld.idx.msk [tilespmem:v49+s15+$0x0], $0xffff;
	v63 =	vpop (erf);
	v22 =	vadd.s32 $0x2, v22;
	v20 =	vmul.f32 v39, v20;
	v37 =	vmul.f32 v39, v37  }
0x1d8: {  	v50 =	vadd.s32 v0, v7;
	v43 =	vadd.f32 v59, v61;
	v53 =	vmul.f32 v40, v63  }
0x1d9: {  	v48 =	vpop (erf);
	v47 =	vmul.f32 v34, v47;
	v34 =	vadd.f32 $0.0e+00, v20;
	v45 =	vsub.f32 v15, v57;
	v55 =	vld.idx.msk [tilespmem:v58+s5+$0x0], $0xffff  }
0x1da: {  	v39 =	vmul.f32 v43, v48;
	v48 =	vsel vm11, $0x38D1B717, v53;
	v56 =	vsub.f32 v13, v60;
	v57 =	vld.idx.msk [tilespmem:v62+s5+$0x0], $0xffff  }
0x1db: {  	v16 =	vmul.f32 v48, v16;
	v58 =	vor.u32 $0x40, v41;
	vm5 =	vgt.f32 v45, v25  }
0x1dc: {  	v59 =	vsel vm10, $0x38D1B717, v39;
	v45 =	vmul.f32 v34, v49;
	v41 =	vsel vm5, v58, v41  }
0x1dd: {  	vm6 =	vgt.f32 v56, v24;
	v61 =	vmul.f32 v59, v51;
	v60 =	vor.u32 $0x22, v41  }
0x1de: {  	v39 =	vld.idx.msk [tilespmem:v54+s15+$0x0], $0xffff;
	v36 =	vmul.f32 v59, v36;
	v62 =	vsel vm6, $0x1, v2;
	v63 =	vsub.f32 v10, v55  }
0x1df: {  	v54 =	vld.idx.msk [tilespmem:v19+s15+$0x0], $0xffff;
	v59 =	vadd.s32 $0x10, v42;
	v49 =	vadd.s32 v62, v21;
	v56 =	vsub.f32 v12, v57  }
0x1e0: {  	v46 =	vld.idx.msk [tilespmem:v52+s15+$0x0], $0xffff;
	v58 =	vadd.s32 $0x4, v38;
	v40 =	vadd.s32 $0x3, v49;
	vm7 =	vgt.f32 v63, v31  }
0x1e1: {  	v35 =	vld.idx.msk [tilespmem:v35+s15+$0x0], $0xffff;
	v55 =	vadd.s32 $0x4, v49;
	vm8 =	vgt.f32 v56, v26;
	v38 =	vsel vm7, v58, v38  }
0x1e2: {  	v20 =	vadd.f32 v61, v37;
	v24 =	vld.idx.msk [tilespmem:v60+s5+$0x0], $0xffff;
	v42 =	vsel vm8, v59, v42;
	v61 =	vadd.s32 $0x4, v38  }
0x1e3: {  	v47 =	vadd.f32 $0.0e+00, v47;
	v45 =	vadd.f32 $0.0e+00, v45;
	v60 =	vld.idx.msk [tilespmem:v18+s15+$0x0], $0xffff;
	v62 =	vadd.s32 $0xA, v42  }
0x1e4: {  	v22 =	vld.idx.msk [tilespmem:v22+s15+$0x0], $0xffff;
	v19 =	vadd.f32 v36, v16;
	v57 =	vadd.s32 $0x1, v49;
	v21 =	vmul.f32 v20, v54  }
0x1e5: {  	v51 =	vadd.s32 $0xFFFFFFF8, v18;
	v30 =	vmul.f32 v30, v46;
	v29 =	vmul.f32 v29, v39;
	v63 =	vld.idx.msk [tilespmem:v40+s5+$0x0], $0xffff  }
0x1e6: {  	v16 =	vmul.f32 v48, v33;
	v35 =	vmul.f32 v19, v35;
	v21 =	vadd.f32 v45, v21;
	v48 =	vld.idx.msk [tilespmem:v55+s5+$0x0], $0xffff  }
0x1e7: {  	v53 =	vor.u32 $0x20, v41;
	v29 =	vadd.f32 v47, v29;
	v56 =	vadd.s32 $0x2, v49;
	v43 =	vld.idx.msk [tilespmem:v61+s5+$0x0], $0xffff  }
0x1e8: {  	v21 =	vadd.f32 v21, v35;
	v24 =	vsub.f32 v15, v24;
	v37 =	vmul.f32 v16, v60;
	v52 =	vld.idx.msk [tilespmem:v62+s5+$0x0], $0xffff  }
0x1e9: {  	v22 =	vmul.f32 v22, v27;
	v54 =	vadd.s32 $0xFFFFFFFB, v18;
	v30 =	vadd.f32 v29, v30;
	v44 =	vld.idx.msk [tilespmem:v57+s5+$0x0], $0xffff  }
0x1ea: {  	v57 =	vadd.s32 $0xFFFFFFFE, v18;
	vm9 =	vgt.f32 v24, v25;
	v21 =	vadd.f32 v21, v37  }
0x1eb: {  	v29 =	vsub.f32 v13, v63;
	v62 =	vadd.s32 $0x5, v49;
	v39 =	vsel vm9, v53, v41  }
0x1ec: {  	v47 =	vadd.s32 $0x8, v42;
	v55 =	vadd.s32 $0x12, v39;
	[tilespmem:v50+s18+$0x0] =	vst.idx.msk $0xffff, v21;
	v50 =	vld.idx.msk [tilespmem:v56+s5+$0x0], $0xffff;
	v58 =	vsub.f32 v10, v43  }
0x1ed: {  	v61 =	vadd.s32 $0x1, v18;
	v24 =	vsub.f32 v48, v13;
	v59 =	vld.idx.msk [tilespmem:v51+s15+$0x0], $0xffff;
	v35 =	vsub.f32 v12, v52  }
0x1ee: {  	v63 =	vadd.s32 $0x2, v38;
	v33 =	vsub.f32 v13, v44;
	v32 =	vld.idx.msk [tilespmem:v54+s15+$0x0], $0xffff;
	vm10 =	vgt.f32 v58, v31  }
0x1ef: {  	v60 =	vadd.f32 v24, v29;
	v52 =	vld.idx.msk [tilespmem:v57+s15+$0x0], $0xffff;
	vm11 =	vgt.f32 v35, v26;
	v36 =	vsel vm10, v63, v38  }
0x1f0: {  	v21 =	vadd.f32 v30, v22;
	v57 =	vld.idx.msk [tilespmem:v62+s5+$0x0], $0xffff;
	v38 =	vsel vm11, v47, v42;
	v51 =	vadd.s32 $0x3, v36  }
0x1f1: {  	v54 =	vadd.f32 v24, v33;
	vm12 =	veq.f32 v60, $0.0e+00;
	v48 =	vld.idx.msk [tilespmem:v55+s5+$0x0], $0xffff;
	v42 =	vadd.s32 $0x6, v38  }
0x1f2: {  	v22 =	vmul.u32 $0x3, v40;
	v56 =	vld.idx.msk [tilespmem:v61+s15+$0x0], $0xffff;
	v61 =	vadd.s32 $0xFFFFFFF9, v18;
	v53 =	vsel vm12, $0x3F800000, v60  }
0x1f3: {  	vm13 =	veq.f32 v54, $0.0e+00;
	(erf) = vrcp.f32 v53;
	v37 =	vsub.f32 v13, v50  }
0x1f4: {  	v60 =	vadd.s32 v4, v7;
	v58 =	vadd.s32 $0x10, v39;
	v28 =	vsel vm13, $0x3F800000, v54  }
0x1f5: {  	v55 =	vadd.s32 $0x6, v49;
	v43 =	vmul.f32 v34, v59;
	v59 =	vadd.f32 v24, v37;
	v41 =	vld.idx.msk [tilespmem:v51+s5+$0x0], $0xffff  }
0x1f6: {  	v32 =	vmul.f32 v20, v32;
	v40 =	vsub.f32 v57, v13;
	v35 =	vsub.f32 v15, v48;
	v42 =	vld.idx.msk [tilespmem:v42+s5+$0x0], $0xffff  }
0x1f7: {  	v27 =	vmul.f32 v19, v52;
	v44 =	vmul.f32 v16, v56;
	v43 =	vadd.f32 $0.0e+00, v43  }
0x1f8: {  	vm15 =	veq.f32 v59, $0.0e+00;
	v50 =	vadd.f32 v40, v29;
	vm14 =	vgt.f32 v35, v25  }
0x1f9: {  	v57 =	vadd.f32 v40, v37;
	v32 =	vadd.f32 v43, v32;
	v39 =	vsel vm14, v58, v39  }
0x1fa: {  	vm8 =	veq.f32 v50, $0.0e+00;
	v35 =	vsel vm15, $0x3F800000, v59;
	v45 =	vadd.s32 $0xA, v39  }
0x1fb: {  	v30 =	vld.idx.msk [tilespmem:v55+s5+$0x0], $0xffff;
	(erf) = vrcp.f32 v35;
	v63 =	vsub.f32 v10, v41;
	v48 =	vsub.f32 v12, v42  }
0x1fc: {  	v51 =	vadd.s32 $0x4, v38;
	v27 =	vadd.f32 v32, v27;
	v53 =	vsel vm8, $0x3F800000, v50;
	v62 =	vpop (erf)  }
0x1fd: {  	v49 =	vsel vm12, $0x38D1B717, v62;
	vm6 =	vgt.f32 v63, v31;
	vm7 =	vgt.f32 v48, v26  }
0x1fe: {  	(erf) = vrcp.f32 v28;
	v35 =	vsel vm6, $0x1, v2;
	v28 =	vsel vm7, v51, v38  }
0x1ff: {  	v27 =	vadd.f32 v27, v44;
	v52 =	vld.idx.msk [tilespmem:v45+s5+$0x0], $0xffff;
	v35 =	vadd.s32 v35, v36;
	v54 =	vadd.s32 $0x4, v28  }
0x200: {  	(erf) = vrcp.f32 v53;
	v44 =	vsub.f32 v30, v13;
	v38 =	vadd.s32 $0x3, v35  }
0x201: {  	v47 =	vadd.s32 $0xFFFFFFFA, v22;
	v55 =	vmul.f32 v49, v24;
	v56 =	vadd.s32 $0x4, v35  }
0x202: {  	vm9 =	veq.f32 v57, $0.0e+00;
	v30 =	vadd.s32 $0xFFFFFFF7, v22;
	[tilespmem:v60+s18+$0x0] =	vst.idx.msk $0xffff, v27;
	v58 =	vadd.f32 v44, v29  }
0x203: {  	v42 =	vmul.f32 v49, v29;
	v60 =	vadd.s32 $0x8, v39;
	v41 =	vadd.f32 $0.0e+00, v55;
	v32 =	vld.idx.msk [tilespmem:v61+s15+$0x0], $0xffff  }
0x204: {  	v27 =	vsel vm9, $0x3F800000, v57;
	vm11 =	veq.f32 v58, $0.0e+00;
	v59 =	vpop (erf);
	v31 =	vsub.f32 v15, v52;
	v36 =	vld.idx.msk [tilespmem:v54+s5+$0x0], $0xffff  }
0x205: {  	v49 =	vadd.s32 $0xFFFFFFFD, v22;
	v43 =	vsel vm11, $0x3F800000, v58;
	v61 =	vmul.f32 v41, v59;
	v62 =	vld.idx.msk [tilespmem:v38+s5+$0x0], $0xffff  }
0x206: {  	v58 =	vadd.s32 $0x2, v28;
	v63 =	vadd.s32 $0x2, v35;
	vm10 =	vgt.f32 v31, v25;
	v13 =	vld.idx.msk [tilespmem:v56+s5+$0x0], $0xffff  }
0x207: {  	(erf) = vrcp.f32 v43;
	v52 =	vsel vm15, $0x38D1B717, v61;
	v39 =	vsel vm10, v60, v39  }
0x208: {  	v54 =	vpop (erf);
	(erf) = vrcp.f32 v27;
	v31 =	vmul.f32 v52, v24;
	v53 =	vadd.s32 $0x6, v39  }
0x209: {  	v27 =	vmul.f32 v34, v32;
	v55 =	vpop (erf);
	v60 =	vadd.s32 $0x1, v35;
	v56 =	vsub.f32 v12, v36  }
0x20a: {  	v46 =	vmul.f32 v52, v37;
	v32 =	vmul.f32 v42, v55;
	v57 =	vadd.f32 $0.0e+00, v31  }
0x20b: {  	v31 =	vsub.f32 v10, v62;
	v41 =	vsub.f32 v13, v10;
	v13 =	vld.idx.msk [tilespmem:v63+s5+$0x0], $0xffff;
	vm12 =	vgt.f32 v56, v26  }
0x20c: {  	v32 =	vsel vm8, $0x38D1B717, v32;
	v59 =	vmul.f32 v57, v54;
	v28 =	vsel vm12, v58, v28  }
0x20d: {  	v57 =	vadd.s32 $0x5, v35;
	v61 =	vld.idx.msk [tilespmem:v53+s5+$0x0], $0xffff;
	v62 =	vadd.f32 v41, v31;
	v63 =	vadd.s32 $0x3, v28  }
0x20e: {  	v35 =	vadd.s32 $0x6, v35;
	v34 =	vsel vm13, $0x38D1B717, v59;
	v36 =	vld.idx.msk [tilespmem:v60+s5+$0x0], $0xffff;
	v53 =	vmul.f32 v32, v40  }
0x20f: {  	v24 =	vmul.f32 v34, v24;
	v32 =	vmul.f32 v32, v29;
	vm13 =	veq.f32 v62, $0.0e+00  }
0x210: {  	v54 =	vld.idx.msk [tilespmem:v30+s15+$0x0], $0xffff;
	v55 =	vpop (erf);
	v46 =	vadd.f32 v46, v53;
	v43 =	vsel vm13, $0x3F800000, v62;
	v30 =	vsub.f32 v10, v13  }
0x211: {  	v32 =	vmul.f32 v32, v55;
	v13 =	vadd.f32 $0.0e+00, v24;
	(erf) = vrcp.f32 v43  }
0x212: {  	v33 =	vmul.f32 v34, v33;
	v56 =	vpop (erf);
	v42 =	vsub.f32 v15, v61;
	v60 =	vadd.f32 v41, v30;
	v59 =	vld.idx.msk [tilespmem:v63+s5+$0x0], $0xffff  }
0x213: {  	v58 =	vmul.f32 v46, v56;
	v46 =	vsel vm11, $0x38D1B717, v32;
	v48 =	vsub.f32 v10, v36  }
0x214: {  	v35 =	vld.idx.msk [tilespmem:v35+s5+$0x0], $0xffff;
	v61 =	vadd.s32 $0x4, v39;
	vm14 =	vgt.f32 v42, v25;
	vm15 =	veq.f32 v60, $0.0e+00  }
0x215: {  	v62 =	vmul.f32 v13, v54;
	v34 =	vsel vm14, v61, v39;
	v45 =	vsel vm15, $0x3F800000, v60  }
0x216: {  	v52 =	vld.idx.msk [tilespmem:v57+s5+$0x0], $0xffff;
	v54 =	vmul.f32 v46, v44;
	v39 =	vadd.s32 $0x4, v34;
	(erf) = vrcp.f32 v45  }
0x217: {  	v24 =	vsel vm9, $0x38D1B717, v58;
	v56 =	vadd.f32 v41, v48;
	v53 =	vsub.f32 v12, v59  }
0x218: {  	v63 =	vmul.f32 v24, v40;
	v24 =	vmul.f32 v24, v37;
	v42 =	vadd.f32 $0.0e+00, v62  }
0x219: {  	v35 =	vsub.f32 v35, v10;
	vm7 =	veq.f32 v56, $0.0e+00;
	vm6 =	vgt.f32 v53, v26  }
0x21a: {  	v55 =	vld.idx.msk [tilespmem:v47+s15+$0x0], $0xffff;
	v24 =	vadd.f32 v24, v54;
	v44 =	vsel vm7, $0x3F800000, v56;
	v60 =	vpop (erf);
	v57 =	vsel vm6, $0x1, v2  }
0x21b: {  	v58 =	vld.idx.msk [tilespmem:v39+s5+$0x0], $0xffff;
	v39 =	vsub.f32 v52, v10;
	v37 =	vsel vm13, $0x38D1B717, v60;
	v40 =	vadd.s32 v57, v28  }
0x21c: {  	(erf) = vrcp.f32 v44;
	v59 =	vld.idx.msk [tilespmem:v49+s15+$0x0], $0xffff;
	v61 =	vmul.f32 v37, v41;
	v32 =	vadd.s32 $0x3, v40  }
0x21d: {  	v26 =	vadd.f32 v63, v33;
	v62 =	vadd.f32 v39, v31;
	v63 =	vadd.s32 $0x4, v40  }
0x21e: {  	v56 =	vadd.s32 $0x2, v34;
	v10 =	vmul.f32 v46, v29;
	v50 =	vadd.f32 $0.0e+00, v61  }
0x21f: {  	v43 =	vmul.f32 v26, v55;
	v28 =	vmul.u32 $0x3, v38;
	vm8 =	veq.f32 v62, $0.0e+00;
	v52 =	vpop (erf)  }
0x220: {  	v33 =	vsub.f32 v15, v58;
	v51 =	vsel vm8, $0x3F800000, v62;
	v38 =	vmul.f32 v50, v52  }
0x221: {  	v60 =	vadd.f32 v35, v31;
	v36 =	vmul.f32 v24, v59;
	(erf) = vrcp.f32 v51;
	v53 =	vld.idx.msk [tilespmem:v32+s5+$0x0], $0xffff  }
0x222: {  	v62 =	vadd.s32 $0x2, v40;
	vm9 =	vgt.f32 v33, v25;
	v57 =	vld.idx.msk [tilespmem:v63+s5+$0x0], $0xffff;
	v38 =	vsel vm15, $0x38D1B717, v38  }
0x223: {  	v42 =	vadd.f32 v42, v43;
	v43 =	vsel vm9, v56, v34;
	v61 =	vmul.f32 v38, v41  }
0x224: {  	vm11 =	veq.f32 v60, $0.0e+00;
	v58 =	vadd.f32 v39, v30;
	v59 =	vadd.s32 $0x3, v43  }
0x225: {  	v37 =	vmul.f32 v37, v31;
	v55 =	vsel vm11, $0x3F800000, v60;
	v54 =	vadd.f32 $0.0e+00, v61  }
0x226: {  	v42 =	vadd.f32 v42, v36;
	v63 =	vadd.s32 $0xFFFFFFF7, v28;
	vm10 =	veq.f32 v58, $0.0e+00;
	v56 =	vpop (erf)  }
0x227: {  	v60 =	vld.idx.msk [tilespmem:v62+s5+$0x0], $0xffff;
	v34 =	vsub.f32 v12, v53;
	v33 =	vsub.f32 v57, v12;
	v36 =	vmul.f32 v54, v56  }
0x228: {  	(erf) = vrcp.f32 v55;
	v57 =	vsel vm10, $0x3F800000, v58;
	v56 =	vadd.s32 $0x5, v40  }
0x229: {  	(erf) = vrcp.f32 v57;
	v58 =	vld.idx.msk [tilespmem:v59+s5+$0x0], $0xffff;
	v59 =	vadd.f32 v33, v34;
	v49 =	vsel vm7, $0x38D1B717, v36  }
0x22a: {  	v46 =	vadd.s32 $0xFFFFFFFA, v28;
	v61 =	vadd.s32 $0x1, v40;
	v62 =	vpop (erf);
	v41 =	vmul.f32 v49, v41  }
0x22b: {  	v38 =	vmul.f32 v38, v30;
	v63 =	vld.idx.msk [tilespmem:v63+s15+$0x0], $0xffff;
	vm12 =	veq.f32 v59, $0.0e+00;
	v54 =	vmul.f32 v37, v62  }
0x22c: {  	v37 =	vsub.f32 v12, v60;
	v55 =	vsel vm12, $0x3F800000, v59;
	v29 =	vadd.f32 $0.0e+00, v41  }
0x22d: {  	v59 =	vadd.s32 $0x6, v40;
	(erf) = vrcp.f32 v55;
	v51 =	vsel vm8, $0x38D1B717, v54  }
0x22e: {  	v60 =	vadd.f32 v33, v37;
	v55 =	vld.idx.msk [tilespmem:v56+s5+$0x0], $0xffff;
	v45 =	vsub.f32 v15, v58;
	v57 =	vmul.f32 v51, v39  }
0x22f: {  	v50 =	vadd.s32 $0xFFFFFFFD, v28;
	v48 =	vmul.f32 v49, v48;
	v58 =	vmul.f32 v51, v31;
	v51 =	vld.idx.msk [tilespmem:v61+s5+$0x0], $0xffff  }
0x230: {  	v62 =	vmul.f32 v29, v63;
	vm14 =	veq.f32 v60, $0.0e+00;
	vm13 =	vgt.f32 v45, v25  }
0x231: {  	v63 =	vpop (erf);
	v38 =	vadd.f32 v38, v57;
	v40 =	vsel vm14, $0x3F800000, v60;
	v61 =	vsel vm13, $0x1, v2  }
0x232: {  	v56 =	vmul.f32 v58, v63;
	v45 =	vld.idx.msk [tilespmem:v59+s5+$0x0], $0xffff;
	v43 =	vadd.s32 v61, v43;
	v57 =	vpop (erf);
	(erf) = vrcp.f32 v40  }
0x233: {  	v41 =	vsub.f32 v55, v12;
	v36 =	vadd.s32 $0x3, v43;
	v38 =	vmul.f32 v38, v57  }
0x234: {  	v40 =	vadd.f32 $0.0e+00, v62;
	v58 =	vadd.s32 $0x4, v43;
	v49 =	vsub.f32 v12, v51  }
0x235: {  	v44 =	vsel vm11, $0x38D1B717, v56;
	v63 =	vadd.f32 v41, v34;
	v38 =	vsel vm10, $0x38D1B717, v38  }
0x236: {  	v35 =	vmul.f32 v44, v35;
	v60 =	vadd.f32 v33, v49;
	v59 =	vmul.f32 v38, v39  }
0x237: {  	v46 =	vld.idx.msk [tilespmem:v46+s15+$0x0], $0xffff;
	v61 =	vpop (erf);
	v38 =	vmul.f32 v38, v30;
	v39 =	vsub.f32 v45, v12;
	vm8 =	veq.f32 v63, $0.0e+00  }
0x238: {  	v12 =	vmul.f32 v44, v31;
	v51 =	vsel vm12, $0x38D1B717, v61;
	vm15 =	veq.f32 v60, $0.0e+00;
	v52 =	vld.idx.msk [tilespmem:v36+s5+$0x0], $0xffff  }
0x239: {  	v61 =	vadd.f32 v41, v37;
	v62 =	vmul.f32 v51, v33;
	v47 =	vld.idx.msk [tilespmem:v58+s5+$0x0], $0xffff;
	v30 =	vadd.f32 v59, v48  }
0x23a: {  	v25 =	vadd.f32 v38, v35;
	v57 =	vsel vm15, $0x3F800000, v60;
	v59 =	vsel vm8, $0x3F800000, v63;
	v63 =	vld.idx.msk [tilespmem:v22+s15+$0x0], $0xffff  }
0x23b: {  	v60 =	vadd.s32 $0x2, v43;
	v38 =	vld.idx.msk [tilespmem:v28+s15+$0x0], $0xffff;
	(erf) = vrcp.f32 v57;
	vm9 =	veq.f32 v61, $0.0e+00  }
0x23c: {  	v57 =	vld.idx.msk [tilespmem:v50+s15+$0x0], $0xffff;
	v50 =	vadd.s32 $0x1, v43;
	v58 =	vadd.f32 $0.0e+00, v62;
	(erf) = vrcp.f32 v59  }
0x23d: {  	v62 =	vadd.f32 v39, v34;
	v46 =	vmul.f32 v30, v46;
	v59 =	vadd.s32 $0x5, v43;
	v56 =	vpop (erf)  }
0x23e: {  	v48 =	vsel vm9, $0x3F800000, v61;
	v43 =	vadd.s32 $0x6, v43;
	v31 =	vmul.f32 v58, v56  }
0x23f: {  	vm10 =	veq.f32 v62, $0.0e+00;
	v40 =	vadd.f32 v40, v46;
	v56 =	vmul.f32 v51, v34  }
0x240: {  	v35 =	vsub.f32 v15, v52;
	v44 =	vsub.f32 v47, v15;
	v58 =	vsel vm10, $0x3F800000, v62;
	v45 =	vld.idx.msk [tilespmem:v60+s5+$0x0], $0xffff  }
0x241: {  	v60 =	vmul.f32 v10, v63;
	v38 =	vmul.f32 v12, v38;
	v55 =	vsel vm14, $0x38D1B717, v31  }
0x242: {  	(erf) = vrcp.f32 v58;
	v62 =	vmul.f32 v25, v57;
	v50 =	vld.idx.msk [tilespmem:v50+s5+$0x0], $0xffff;
	v52 =	vadd.f32 v44, v35  }
0x243: {  	v31 =	vmul.u32 $0x3, v32;
	(erf) = vrcp.f32 v48;
	v57 =	vmul.f32 v55, v33;
	v59 =	vld.idx.msk [tilespmem:v59+s5+$0x0], $0xffff  }
0x244: {  	v42 =	vadd.f32 v42, v60;
	v43 =	vld.idx.msk [tilespmem:v43+s5+$0x0], $0xffff;
	v40 =	vadd.f32 v40, v62;
	vm5 =	veq.f32 v52, $0.0e+00  }
0x245: {  	v51 =	vadd.f32 $0.0e+00, v57;
	v61 =	vsel vm5, $0x3F800000, v52;
	v45 =	vsub.f32 v15, v45  }
0x246: {  	v63 =	vpop (erf);
	v40 =	vadd.f32 v40, v38;
	(erf) = vrcp.f32 v61;
	v61 =	vmul.f32 v55, v37  }
0x247: {  	v58 =	vpop (erf);
	v47 =	vmul.f32 v51, v63;
	v50 =	vsub.f32 v15, v50;
	v55 =	vadd.s32 $0x2, v18  }
0x248: {  	v46 =	vmul.f32 v56, v58;
	v60 =	vadd.f32 v44, v45;
	v52 =	vsub.f32 v59, v15  }
0x249: {  	v43 =	vsub.f32 v43, v15;
	v47 =	vsel vm15, $0x38D1B717, v47;
	v57 =	vadd.f32 v44, v50  }
0x24a: {  	v46 =	vsel vm8, $0x38D1B717, v46;
	v15 =	vmul.f32 v47, v33;
	v33 =	vmul.f32 v47, v49  }
0x24b: {  	vm11 =	veq.f32 v60, $0.0e+00;
	v62 =	vmul.f32 v46, v41;
	v46 =	vmul.f32 v46, v34  }
0x24c: {  	v63 =	vpop (erf);
	v32 =	vsel vm11, $0x3F800000, v60;
	v60 =	vadd.f32 v52, v35;
	vm12 =	veq.f32 v57, $0.0e+00  }
0x24d: {  	v53 =	vpop (erf);
	(erf) = vrcp.f32 v32;
	v54 =	vsel vm12, $0x3F800000, v57;
	v58 =	vadd.f32 v61, v62  }
0x24e: {  	v38 =	vmul.f32 v46, v63;
	v61 =	vadd.s32 $0xFFFFFFF7, v31;
	vm13 =	veq.f32 v60, $0.0e+00  }
0x24f: {  	(erf) = vrcp.f32 v54;
	v63 =	vadd.s32 $0xFFFFFFFA, v31;
	v62 =	vsel vm13, $0x3F800000, v60  }
0x250: {  	v60 =	vadd.f32 v52, v45;
	v32 =	vmul.f32 v58, v53;
	(erf) = vrcp.f32 v62  }
0x251: {  	v58 =	vadd.f32 v43, v35;
	v53 =	vadd.s32 $0xFFFFFFFD, v31;
	v54 =	vsel vm10, $0x38D1B717, v38  }
0x252: {  	v38 =	vadd.s32 v5, v11;
	v59 =	vpop (erf);
	vm15 =	veq.f32 v60, $0.0e+00;
	v39 =	vmul.f32 v54, v39  }
0x253: {  	v11 =	vmul.f32 v54, v34;
	v54 =	vadd.s32 $0xFFFFFFFC, v18;
	v46 =	vsel vm5, $0x38D1B717, v59  }
0x254: {  	v34 =	vmul.u32 $0x3, v36;
	vm14 =	veq.f32 v58, $0.0e+00;
	v57 =	vmul.f32 v46, v44  }
0x255: {  	v32 =	vsel vm9, $0x38D1B717, v32;
	v62 =	vsel vm15, $0x3F800000, v60;
	v59 =	vld.idx.msk [tilespmem:v61+s15+$0x0], $0xffff;
	v49 =	vsel vm14, $0x3F800000, v58  }
0x256: {  	v48 =	vld.idx.msk [tilespmem:v63+s15+$0x0], $0xffff;
	(erf) = vrcp.f32 v49;
	v49 =	vadd.s32 v0, v8;
	v47 =	vadd.f32 $0.0e+00, v57  }
0x257: {  	v41 =	vmul.f32 v32, v41;
	v37 =	vmul.f32 v32, v37;
	v63 =	vadd.s32 $0xFFFFFFF8, v22;
	v61 =	vpop (erf)  }
0x258: {  	v32 =	vadd.f32 $0.0e+00, v15;
	v46 =	vmul.f32 v46, v35;
	v60 =	vld.idx.msk [tilespmem:v53+s15+$0x0], $0xffff;
	v47 =	vmul.f32 v47, v61  }
0x259: {  	v33 =	vadd.f32 v41, v33;
	v15 =	vadd.f32 v37, v39;
	v53 =	vadd.s32 $0xFFFFFFFA, v34  }
0x25a: {  	(erf) = vrcp.f32 v62;
	v51 =	vpop (erf);
	v56 =	vmul.f32 v32, v59;
	v47 =	vsel vm11, $0x38D1B717, v47  }
0x25b: {  	v59 =	vadd.s32 $0xFFFFFFFB, v22;
	v48 =	vmul.f32 v33, v48;
	v58 =	vpop (erf);
	[tilespmem:v49+s18+$0x0] =	vst.idx.msk $0xffff, v42;
	v57 =	vmul.f32 v47, v44  }
0x25c: {  	v39 =	vmul.f32 v46, v58;
	v61 =	vadd.f32 $0.0e+00, v56;
	v42 =	vld.idx.msk [tilespmem:v63+s15+$0x0], $0xffff;
	v63 =	vadd.s32 $0xFFFFFFF7, v34  }
0x25d: {  	v47 =	vmul.f32 v47, v45;
	v46 =	vmul.f32 v15, v60;
	v60 =	vadd.s32 $0xFFFFFFFD, v34  }
0x25e: {  	v53 =	vld.idx.msk [tilespmem:v53+s15+$0x0], $0xffff;
	v37 =	vadd.f32 $0.0e+00, v57;
	v62 =	vadd.f32 v61, v48;
	v39 =	vsel vm13, $0x38D1B717, v39  }
0x25f: {  	v61 =	vadd.s32 $0xFFFFFFFF, v18;
	v48 =	vld.idx.msk [tilespmem:v54+s15+$0x0], $0xffff;
	v57 =	vmul.f32 v39, v52;
	v39 =	vmul.f32 v39, v35  }
0x260: {  	v54 =	vadd.s32 $0x1, v22;
	v41 =	vld.idx.msk [tilespmem:v59+s15+$0x0], $0xffff;
	v58 =	vpop (erf);
	v37 =	vmul.f32 v37, v51;
	v51 =	vadd.s32 $0xFFFFFFFE, v22  }
0x261: {  	v46 =	vadd.f32 v62, v46;
	v47 =	vadd.f32 v47, v57;
	v39 =	vmul.f32 v39, v58;
	v63 =	vld.idx.msk [tilespmem:v63+s15+$0x0], $0xffff  }
0x262: {  	v62 =	vmul.f32 v13, v42;
	v58 =	vadd.s32 v0, v6;
	v49 =	vld.idx.msk [tilespmem:v60+s15+$0x0], $0xffff;
	v37 =	vsel vm12, $0x38D1B717, v37  }
0x263: {  	v59 =	vpop (erf);
	v60 =	vadd.s32 v0, v9;
	v36 =	vmul.f32 v37, v44;
	v37 =	vmul.f32 v37, v50;
	v50 =	vld.idx.msk [tilespmem:v31+s15+$0x0], $0xffff  }
0x264: {  	v44 =	vmul.f32 v47, v59;
	v39 =	vsel vm14, $0x38D1B717, v39;
	v56 =	vadd.f32 $0.0e+00, v62;
	v47 =	vld.idx.msk [tilespmem:v61+s15+$0x0], $0xffff  }
0x265: {  	v59 =	vadd.s32 $0xFFFFFFF8, v28;
	v62 =	vld.idx.msk [tilespmem:v34+s15+$0x0], $0xffff;
	v41 =	vmul.f32 v26, v41;
	v43 =	vmul.f32 v39, v43  }
0x266: {  	v54 =	vld.idx.msk [tilespmem:v54+s15+$0x0], $0xffff;
	v35 =	vmul.f32 v39, v35;
	v57 =	vsel vm15, $0x38D1B717, v44;
	v36 =	vadd.f32 $0.0e+00, v36  }
0x267: {  	v61 =	vadd.s32 $0xFFFFFFFB, v28;
	v51 =	vld.idx.msk [tilespmem:v51+s15+$0x0], $0xffff;
	v52 =	vmul.f32 v57, v52;
	v18 =	vmul.f32 v57, v45  }
0x268: {  	v57 =	vadd.s32 $0x1, v28;
	v42 =	vmul.f32 v36, v63;
	v63 =	vadd.s32 $0xFFFFFFFE, v28  }
0x269: {  	[tilespmem:v58+s18+$0x0] =	vst.idx.msk $0xffff, v40;
	v58 =	vadd.s32 $0xFFFFFFF8, v31;
	v41 =	vadd.f32 v56, v41;
	v37 =	vadd.f32 v52, v37  }
0x26a: {  	v50 =	vmul.f32 v11, v50;
	v18 =	vadd.f32 v18, v43;
	v43 =	vmul.f32 v35, v62  }
0x26b: {  	v62 =	vadd.s32 v4, v8;
	v42 =	vadd.f32 $0.0e+00, v42;
	v53 =	vmul.f32 v37, v53  }
0x26c: {  	v45 =	vld.idx.msk [tilespmem:v59+s15+$0x0], $0xffff;
	v54 =	vmul.f32 v10, v54;
	v46 =	vadd.f32 v46, v50;
	v51 =	vmul.f32 v24, v51  }
0x26d: {  	v49 =	vmul.f32 v18, v49;
	v42 =	vadd.f32 v42, v53;
	v44 =	vld.idx.msk [tilespmem:v63+s15+$0x0], $0xffff;
	v63 =	vadd.s32 $0xFFFFFFFE, v31  }
0x26e: {  	v59 =	vadd.s32 $0xFFFFFFFB, v31;
	[tilespmem:v60+s18+$0x0] =	vst.idx.msk $0xffff, v46;
	v60 =	vadd.s32 v0, v14;
	v41 =	vadd.f32 v41, v51  }
0x26f: {  	v50 =	vld.idx.msk [tilespmem:v61+s15+$0x0], $0xffff;
	v61 =	vadd.s32 $0xFFFFFFF8, v34;
	v42 =	vadd.f32 v42, v49  }
0x270: {  	v27 =	vadd.f32 $0.0e+00, v27;
	v56 =	vadd.s32 $0xFFFFFFFB, v34;
	v39 =	vld.idx.msk [tilespmem:v57+s15+$0x0], $0xffff;
	v41 =	vadd.f32 v41, v54  }
0x271: {  	v20 =	vmul.f32 v20, v48;
	v57 =	vadd.s32 $0xFFFFFFF9, v22;
	v53 =	vld.idx.msk [tilespmem:v58+s15+$0x0], $0xffff;
	v42 =	vadd.f32 v42, v43  }
0x272: {  	v46 =	vadd.s32 $0xFFFFFFFE, v34;
	v45 =	vmul.f32 v29, v45;
	[tilespmem:v62+s18+$0x0] =	vst.idx.msk $0xffff, v41;
	v41 =	vld.idx.msk [tilespmem:v63+s15+$0x0], $0xffff  }
0x273: {  	v20 =	vadd.f32 v27, v20;
	v62 =	vadd.s32 $0xFFFFFFFF, v22;
	[tilespmem:v60+s18+$0x0] =	vst.idx.msk $0xffff, v42;
	v42 =	vld.idx.msk [tilespmem:v59+s15+$0x0], $0xffff  }
0x274: {  	[tilespmem:v17+s18+$0x0] =	vst.idx.msk $0xffff, v23;
	v27 =	vadd.s32 $0xFFFFFFFC, v22;
	v59 =	vadd.f32 $0.0e+00, v45;
	v45 =	vadd.s32 $0x1, v31;
	v60 =	vld.idx.msk [tilespmem:v61+s15+$0x0], $0xffff  }
0x275: {  	v19 =	vmul.f32 v19, v47;
	v58 =	vmul.f32 v30, v50;
	v61 =	vadd.s32 $0x1, v34;
	v63 =	vld.idx.msk [tilespmem:v56+s15+$0x0], $0xffff  }
0x276: {  	[tilespmem:v38+s18+$0x0] =	vst.idx.msk $0xffff, v21;
	v54 =	vadd.s32 $0xFFFFFFF9, v34;
	v22 =	vadd.s32 $0x2, v22;
	v39 =	vmul.f32 v12, v39;
	v56 =	vld.idx.msk [tilespmem:v57+s15+$0x0], $0xffff  }
0x277: {  	v44 =	vmul.f32 v25, v44;
	v57 =	vadd.s32 v4, v6;
	v46 =	vld.idx.msk [tilespmem:v46+s15+$0x0], $0xffff;
	v17 =	vadd.f32 v59, v58  }
0x278: {  	v58 =	vmul.f32 v32, v53;
	v59 =	vadd.s32 $0xFFFFFFFC, v28;
	v53 =	vadd.s32 v4, v14;
	v21 =	vld.idx.msk [tilespmem:v62+s15+$0x0], $0xffff  }
0x279: {  	v62 =	vadd.s32 v4, v9;
	v17 =	vadd.f32 v17, v44;
	v45 =	vld.idx.msk [tilespmem:v45+s15+$0x0], $0xffff;
	v50 =	vmul.f32 v36, v60  }
0x27a: {  	v52 =	vadd.f32 $0.0e+00, v58;
	v41 =	vmul.f32 v15, v41;
	v42 =	vmul.f32 v33, v42;
	v49 =	vld.idx.msk [tilespmem:v61+s15+$0x0], $0xffff  }
0x27b: {  	v40 =	vld.idx.msk [tilespmem:v55+s15+$0x0], $0xffff;
	v60 =	vadd.s32 $0xFFFFFFF9, v28;
	v23 =	vmul.f32 v37, v63;
	v50 =	vadd.f32 $0.0e+00, v50  }
0x27c: {  	v27 =	vld.idx.msk [tilespmem:v27+s15+$0x0], $0xffff;
	v17 =	vadd.f32 v17, v39;
	v61 =	vadd.s32 $0xFFFFFFFF, v28;
	v42 =	vadd.f32 v52, v42  }
0x27d: {  	v22 =	vld.idx.msk [tilespmem:v22+s15+$0x0], $0xffff;
	v28 =	vadd.s32 $0x2, v28;
	v63 =	vmul.f32 v18, v46;
	v23 =	vadd.f32 v50, v23  }
0x27e: {  	v52 =	vadd.s32 $0xFFFFFFF9, v31;
	[tilespmem:v57+s18+$0x0] =	vst.idx.msk $0xffff, v17;
	v41 =	vadd.f32 v42, v41;
	v45 =	vmul.f32 v11, v45  }
0x27f: {  	v13 =	vmul.f32 v13, v56;
	v56 =	vld.idx.msk [tilespmem:v59+s15+$0x0], $0xffff;
	v55 =	vmul.f32 v35, v49;
	v23 =	vadd.f32 v23, v63  }
0x280: {  	v57 =	vadd.s32 $0xFFFFFFFC, v31;
	v39 =	vld.idx.msk [tilespmem:v60+s15+$0x0], $0xffff;
	v41 =	vadd.f32 v41, v45  }
0x281: {  	v19 =	vadd.f32 v20, v19;
	v58 =	vadd.s32 $0xFFFFFFFC, v34;
	v38 =	vld.idx.msk [tilespmem:v61+s15+$0x0], $0xffff;
	v23 =	vadd.f32 v23, v55  }
0x282: {  	v26 =	vmul.f32 v26, v27;
	v13 =	vadd.f32 $0.0e+00, v13;
	v59 =	vld.idx.msk [tilespmem:v28+s15+$0x0], $0xffff;
	v60 =	vadd.s32 $0xFFFFFFFF, v31;
	[tilespmem:v62+s18+$0x0] =	vst.idx.msk $0xffff, v41  }
0x283: {  	v16 =	vmul.f32 v40, v16;
	v61 =	vadd.s32 $0xFFFFFFFF, v34;
	v17 =	vld.idx.msk [tilespmem:v52+s15+$0x0], $0xffff;
	[tilespmem:v53+s18+$0x0] =	vst.idx.msk $0xffff, v23  }
0x284: {  	v21 =	vmul.f32 v24, v21;
	v13 =	vadd.f32 v13, v26;
	v62 =	vadd.s32 $0x2, v31;
	v63 =	vld.idx.msk [tilespmem:v54+s15+$0x0], $0xffff  }
0x285: {  	v7 =	vadd.s32 v5, v7;
	v44 =	vadd.s32 $0x2, v34;
	v42 =	vld.idx.msk [tilespmem:v57+s15+$0x0], $0xffff  }
0x286: {  	v16 =	vadd.f32 v19, v16;
	v10 =	vmul.f32 v22, v10;
	v13 =	vadd.f32 v13, v21;
	v45 =	vld.idx.msk [tilespmem:v58+s15+$0x0], $0xffff  }
0x287: {  	v6 =	vadd.s32 v5, v6;
	v49 =	vadd.s32 v5, v8;
	v41 =	vmul.f32 v29, v39;
	v48 =	vld.idx.msk [tilespmem:v60+s15+$0x0], $0xffff  }
0x288: {  	v47 =	vmul.f32 v30, v56;
	v10 =	vadd.f32 v13, v10;
	v51 =	vld.idx.msk [tilespmem:v61+s15+$0x0], $0xffff;
	v50 =	vmul.f32 v32, v17  }
0x289: {  	v52 =	vmul.f32 v25, v38;
	v46 =	vadd.f32 $0.0e+00, v41;
	v53 =	vld.idx.msk [tilespmem:v62+s15+$0x0], $0xffff;
	v54 =	vmul.f32 v36, v63  }
0x28a: {  	v12 =	vmul.f32 v59, v12;
	v56 =	vld.idx.msk [tilespmem:v44+s15+$0x0], $0xffff;
	v55 =	vmul.f32 v33, v42;
	v13 =	vadd.f32 $0.0e+00, v50  }
0x28b: {  	[tilespmem:v7+s18+$0x0] =	vst.idx.msk $0xffff, v16;
	v19 =	vadd.f32 v46, v47;
	v58 =	vmul.f32 v37, v45;
	v57 =	vadd.f32 $0.0e+00, v54  }
0x28c: {  	v59 =	vadd.s32 v5, v9;
	v15 =	vmul.f32 v15, v48;
	v13 =	vadd.f32 v13, v55  }
0x28d: {  	v7 =	vadd.f32 v19, v52;
	v17 =	vmul.f32 v18, v51;
	v16 =	vadd.f32 v57, v58  }
0x28e: {  	s21 =	sadd.s32 $0x1, s21;
	v60 =	vadd.s32 v5, v14;
	v11 =	vmul.f32 v53, v11;
	v13 =	vadd.f32 v13, v15  }
0x28f: {  	p0 =	sne.s32 s21, $0x4;
	v62 =	vmul.f32 v56, v35;
	v7 =	vadd.f32 v7, v12;
	v61 =	vadd.f32 v16, v17  }
.Ltmp1:
0x290: {  	[tilespmem:v49+s18+$0x0] =	vst.idx.msk $0xffff, v10;
	v63 =	vadd.f32 v13, v11;
	(pc) =	sbr.rel @p0 .LBB2_2-.Ltmp1, $4  }
0x291: {  	[tilespmem:v6+s18+$0x0] =	vst.idx.msk $0xffff, v7;
	v6 =	vadd.f32 v61, v62  }
0x292: {  	[tilespmem:v59+s18+$0x0] =	vst.idx.msk $0xffff, v63  }
0x293: {  	s22 =	sadd.s32 s4, s22;
	[tilespmem:v60+s18+$0x0] =	vst.idx.msk $0xffff, v6  }
0x294: {  	[hbm4b:s22+s13] =	stream.strided.scatter [tilespmem:s18], [sflag:$0x3], $0x600, s14, s13, $0x38;
	[tilespmem:$0x1100] =	vst v63  }
0x295: {  	s20 =	sadd.s32 $0x1, s20  }
0x296: {  	p0 =	sne.s32 s20, s10  }
.Ltmp2:
0x297: {  	_ = 	snop;
	(pc) =	sbr.rel @p0 .LBB2_1-.Ltmp2, $4  }
0x298: {  	_ = 	snop  }
0x299: {  	_ =	swait.ge [sflag:s19], $0x600  }
0x29a: {  	[sflag:s19] =	ssyncset.done $0x0  }
0x29b: {  	[sflag:s19] =	ssyncadd.s32 $0xFFFFFA00  }
0x29c: {  	_ =	sfence.sel $0x180000  }
0x29d: {  	[bflag:$0x0] =	sbarrier.arrive $0xFFFF  }
0x29e: {  	p0 =	sne.s32 s6, $0x0;
	_ =	strace $0x90000047  }
0x29f: {  	s0 =	sadd.s32 @!p0 $0x100000, s0;
	[bflag:$0x2] =	sbarrier.arrive $0xFFFF  }
0x2a0: {  	[sflag:s0] =	ssyncadd.tile.s32 @!p0 $0x1;
	_ =	shalt  }
.Lfunc_end2:
_tile_overlayer_lowered:
.L_overlay_start_2:
0x2a1: {  	(tag) =	ssettag $0x2  }
0x2a2: {  	s0 =	rddreg [dreg:$0x0];
	s2 =	stileid.u32  }
0x2a3: {  	s1 =	rddreg [dreg:$0x1];
	p0 =	sne.s32 s2, $0x0  }
0x2a4: {  	s3 =	rddreg [dreg:$0x2];
	[bflag:$0x3] =	sbarrier.arrive $0xFFFF;
	s2 =	simm.s32 @!p0 $0x1C04  }
0x2a5: {  	[timem:s3], [sflag:s2] =	dma.local @!p0 [hbm:s0], s1  }
0x2a6: {  	s0 =	simm.s32 @!p0 $0x4  }
0x2a7: {  	_ =	swait.ge @!p0 [sflag:s0], s1  }
0x2a8: {  	s1 =	ssub.s32 @!p0 $0x0, s1;
	[sflag:s0] =	ssyncset.done @!p0 $0x0  }
0x2a9: {  	[sflag:s0] =	ssyncadd.s32 @!p0 s1  }
0x2aa: {  	[bflag:$0x3] =	sbarrier.arrive $0xFFFF  }
0x2ab: {  	_ =	shalt  }

</sc_bundles>
